<compile_context>
chip_gen: v7x
topology: tpu7x:2x2x1
jax: 0.10.2.dev20260603
libtpu: 0.0.44.dev20260713+nightly
codegen_flags: <defaults>
</compile_context>

<pallas_src>
import functools

import jax
import jax.numpy as jnp
from jax import lax
from jax.experimental import pallas as pl
from jax.experimental.pallas import tpu as pltpu
from jax.experimental.pallas import tpu_sc as plsc

N_NODES = 10000
N_EDGES = 320000
D_FEAT = 128
D_HID = 128
N_CLASSES = 40

NC = 2
NS = 16
NW = NC * NS
CB = 64
CHUNKS = 158
EPW = CHUNKS * CB
E_PAD = NW * EPW
NROW = 10112
RPT = NROW // NS
W1 = D_HID + 16
W2 = 48

_mesh = plsc.VectorSubcoreMesh(core_axis_name="c", subcore_axis_name="s")


def _make_segsum(width):

    @functools.partial(
        pl.kernel,
        mesh=_mesh,
        compiler_params=pltpu.CompilerParams(use_tc_tiling_on_sc=False),
        out_type=jax.ShapeDtypeStruct((NC, NROW, width), jnp.float32),
        scratch_types=[
            pltpu.VMEM((CHUNKS, CB), jnp.int32),
            pltpu.VMEM((CHUNKS, CB), jnp.int32),
            pltpu.VMEM((CB, width), jnp.float32),
            pltpu.VMEM((CB, width), jnp.float32),
            pltpu.VMEM_SHARED((NROW, width), jnp.float32),
            pltpu.SemaphoreType.DMA,
            pltpu.SemaphoreType.DMA,
        ],
    )
    def segsum(table, srci, dsti, zeros_hbm, out, src_v, dst_v, bufa, bufb, acc,
               sema, semb):
        c = lax.axis_index("c")
        s = lax.axis_index("s")
        wid = c * NS + s
        r0 = s * RPT
        pltpu.sync_copy(zeros_hbm.at[pl.ds(r0, RPT)], acc.at[pl.ds(r0, RPT)])
        pltpu.sync_copy(srci.at[wid], src_v)
        pltpu.sync_copy(dsti.at[wid], dst_v)
        plsc.subcore_barrier()

        pltpu.async_copy(table.at[src_v.at[0]], bufa, sema)

        def body(i, carry):
            j0 = 2 * i
            pltpu.async_copy(table.at[src_v.at[j0 + 1]], bufb, semb)
            pltpu.make_async_copy(table.at[src_v.at[j0]], bufa, sema).wait()
            pltpu.sync_copy(bufa, acc.at[dst_v.at[j0]], add=True)
            pltpu.async_copy(table.at[src_v.at[j0 + 2]], bufa, sema)
            pltpu.make_async_copy(table.at[src_v.at[j0 + 1]], bufb, semb).wait()
            pltpu.sync_copy(bufb, acc.at[dst_v.at[j0 + 1]], add=True)
            return carry

        lax.fori_loop(0, (CHUNKS - 2) // 2, body, 0)
        pltpu.async_copy(table.at[src_v.at[CHUNKS - 1]], bufb, semb)
        pltpu.make_async_copy(table.at[src_v.at[CHUNKS - 2]], bufa, sema).wait()
        pltpu.sync_copy(bufa, acc.at[dst_v.at[CHUNKS - 2]], add=True)
        pltpu.make_async_copy(table.at[src_v.at[CHUNKS - 1]], bufb, semb).wait()
        pltpu.sync_copy(bufb, acc.at[dst_v.at[CHUNKS - 1]], add=True)
        plsc.subcore_barrier()
        pltpu.sync_copy(acc.at[pl.ds(r0, RPT)], out.at[c, pl.ds(r0, RPT)])

    return segsum


_segsum_w1 = _make_segsum(W1)
_segsum_w2 = _make_segsum(W2)


def _k1(x_ref, w_ref, a_ref, t_ref):
    p = jnp.dot(x_ref[...], w_ref[...], preferred_element_type=jnp.float32)
    a_ref[...] = p[:, :D_FEAT]
    t_ref[:, :D_HID] = p[:, D_FEAT:]
    col = lax.broadcasted_iota(jnp.int32, (x_ref.shape[0], 16), 1)
    t_ref[:, D_HID:] = jnp.where(col == 0, 1.0, 0.0)


def _k2(a1_ref, s_ref, b1_ref, ws2_ref, wn2_ref, b2_ref, oa_ref, og_ref, rc_ref):
    ssum = s_ref[0] + s_ref[1]
    rcnt = 1.0 / jnp.maximum(ssum[:, D_HID : D_HID + 1], 1.0)
    h = jnp.maximum(a1_ref[...] + ssum[:, :D_HID] * rcnt + b1_ref[0:1, :], 0.0)
    oa_ref[...] = (
        jnp.dot(h, ws2_ref[...], preferred_element_type=jnp.float32) + b2_ref[0:1, :]
    )
    og_ref[...] = jnp.dot(h, wn2_ref[...], preferred_element_type=jnp.float32)
    rc_ref[...] = jnp.broadcast_to(rcnt, (rcnt.shape[0], 8))


def _k3(a2_ref, s2_ref, rc_ref, o_ref):
    m2 = (s2_ref[0] + s2_ref[1])[:, :N_CLASSES] * rc_ref[:, 0:1]
    o_ref[...] = a2_ref[...] + m2


def kernel(x, edge_index, W_self1, W_neigh1, b1, W_self2, W_neigh2, b2):
    RB = 1000
    G = N_NODES // RB

    pad = E_PAD - N_EDGES
    src = jnp.concatenate([edge_index[0], jnp.zeros((pad,), jnp.int32)])
    dst = jnp.concatenate(
        [edge_index[1], N_NODES + (jnp.arange(pad, dtype=jnp.int32) % 16)]
    )
    src3 = src.reshape(NW, CHUNKS, CB)
    dst3 = dst.reshape(NW, CHUNKS, CB)
    z1 = jnp.zeros((NROW, W1), jnp.float32)
    z2 = jnp.zeros((NROW, W2), jnp.float32)

    Wcat1 = jnp.concatenate([W_self1, W_neigh1], axis=1)
    A1, T1 = pl.pallas_call(
        _k1,
        grid=(G,),
        in_specs=[
            pl.BlockSpec((RB, D_FEAT), lambda i: (i, 0)),
            pl.BlockSpec((D_FEAT, 2 * D_HID), lambda i: (0, 0)),
        ],
        out_specs=[
            pl.BlockSpec((RB, D_HID), lambda i: (i, 0)),
            pl.BlockSpec((RB, W1), lambda i: (i, 0)),
        ],
        out_shape=[
            jax.ShapeDtypeStruct((N_NODES, D_HID), jnp.float32),
            jax.ShapeDtypeStruct((N_NODES, W1), jnp.float32),
        ],
    )(x, Wcat1)

    S1 = _segsum_w1(T1, src3, dst3, z1)

    b1r = jnp.broadcast_to(b1[None, :], (8, D_HID))
    b2r = jnp.broadcast_to(b2[None, :], (8, N_CLASSES))
    Wn2pad = jnp.concatenate(
        [W_neigh2, jnp.zeros((D_HID, W2 - N_CLASSES), jnp.float32)], axis=1
    )
    A2b, T2, RC = pl.pallas_call(
        _k2,
        grid=(G,),
        in_specs=[
            pl.BlockSpec((RB, D_HID), lambda i: (i, 0)),
            pl.BlockSpec((NC, RB, W1), lambda i: (0, i, 0)),
            pl.BlockSpec((8, D_HID), lambda i: (0, 0)),
            pl.BlockSpec((D_HID, N_CLASSES), lambda i: (0, 0)),
            pl.BlockSpec((D_HID, W2), lambda i: (0, 0)),
            pl.BlockSpec((8, N_CLASSES), lambda i: (0, 0)),
        ],
        out_specs=[
            pl.BlockSpec((RB, N_CLASSES), lambda i: (i, 0)),
            pl.BlockSpec((RB, W2), lambda i: (i, 0)),
            pl.BlockSpec((RB, 8), lambda i: (i, 0)),
        ],
        out_shape=[
            jax.ShapeDtypeStruct((N_NODES, N_CLASSES), jnp.float32),
            jax.ShapeDtypeStruct((N_NODES, W2), jnp.float32),
            jax.ShapeDtypeStruct((N_NODES, 8), jnp.float32),
        ],
    )(A1, S1, b1r, W_self2, Wn2pad, b2r)

    S2 = _segsum_w2(T2, src3, dst3, z2)

    out = pl.pallas_call(
        _k3,
        grid=(G,),
        in_specs=[
            pl.BlockSpec((RB, N_CLASSES), lambda i: (i, 0)),
            pl.BlockSpec((NC, RB, W2), lambda i: (0, i, 0)),
            pl.BlockSpec((RB, 8), lambda i: (i, 0)),
        ],
        out_specs=pl.BlockSpec((RB, N_CLASSES), lambda i: (i, 0)),
        out_shape=jax.ShapeDtypeStruct((N_NODES, N_CLASSES), jnp.float32),
    )(A2b, S2, RC)
    return out

# --- scband reference (transcript-rebuilt; emitter-appended) ---
"""Pipeline reference for scband-graph-sampling-base-13185549598972 (READ-ONLY COPY).

The authoritative reference and input builder live on the scoring server;
editing this copy changes nothing except your own understanding.
"""

import jax, jax.numpy as jnp
import numpy as np

N_NODES = 10000
N_EDGES = 320000
D_FEAT = 128
D_HID = 128
N_CLASSES = 40


def setup_inputs(seed: int = 0) -> dict:
    key = jax.random.key(seed)
    k1, k2, k3, k4, k5, k6, k7, k8 = jax.random.split(key, 8)
    x = jax.random.normal(k1, (N_NODES, D_FEAT), dtype=jnp.float32)
    edge_index = jax.random.randint(k2, (2, N_EDGES), 0, N_NODES, dtype=jnp.int32)
    s1 = 1.0 / np.sqrt(D_FEAT)
    s2 = 1.0 / np.sqrt(D_HID)
    W_self1 = jax.random.uniform(k3, (D_FEAT, D_HID), dtype=jnp.float32, minval=-s1, maxval=s1)
    W_neigh1 = jax.random.uniform(k4, (D_FEAT, D_HID), dtype=jnp.float32, minval=-s1, maxval=s1)
    b1 = jnp.zeros((D_HID,), dtype=jnp.float32)
    W_self2 = jax.random.uniform(k5, (D_HID, N_CLASSES), dtype=jnp.float32, minval=-s2, maxval=s2)
    W_neigh2 = jax.random.uniform(k6, (D_HID, N_CLASSES), dtype=jnp.float32, minval=-s2, maxval=s2)
    b2 = jnp.zeros((N_CLASSES,), dtype=jnp.float32)
    return {
        'x': x,
        'edge_index': edge_index,
        'W_self1': W_self1,
        'W_neigh1': W_neigh1,
        'b1': b1,
        'W_self2': W_self2,
        'W_neigh2': W_neigh2,
        'b2': b2,
    }


def _sage_layer(h, src, dst, W_self, W_neigh, b):
    # SAGEConv with mean aggregation, as used by the sampled convs in inference_gpu:
    # gather source features, scatter-mean into destination nodes, linear combine.
    msgs = h[src]  # gather: [E, d]
    sums = jax.ops.segment_sum(msgs, dst, num_segments=N_NODES)
    cnt = jax.ops.segment_sum(jnp.ones((msgs.shape[0], 1), dtype=h.dtype), dst, num_segments=N_NODES)
    mean = sums / jnp.maximum(cnt, 1.0)
    return h @ W_self + mean @ W_neigh + b


def reference(x, edge_index, W_self1, W_neigh1, b1, W_self2, W_neigh2, b2):
    # Full-graph layer-wise inference (equivalent to inference_gpu over all batches):
    # layer i: x_all = conv_i(x_all, edge_index); relu on all but last layer.
    src = edge_index[0]
    dst = edge_index[1]
    h = _sage_layer(x, src, dst, W_self1, W_neigh1, b1)
    h = jax.nn.relu(h)
    out = _sage_layer(h, src, dst, W_self2, W_neigh2, b2)
    return out

if __name__ == "__main__":
    import jax
    _d = setup_inputs()
    print(jax.jit(kernel)(*tuple(_d.values())))

</pallas_src>

<mosaic_0001>
#map = affine_map<(d0, d1) -> (0, 0)>
#map1 = affine_map<(d0, d1) -> (0, 0, 0)>
module attributes {stable_mosaic.version = 14 : i64} {
  func.func @segsum(%arg0: i32, %arg1: i32, %arg2: memref<10000x144xf32, #tpu.memory_space<hbm>>, %arg3: memref<32x158x64xi32, #tpu.memory_space<hbm>>, %arg4: memref<32x158x64xi32, #tpu.memory_space<hbm>>, %arg5: memref<10112x144xf32, #tpu.memory_space<hbm>>, %arg6: memref<2x10112x144xf32, #tpu.memory_space<hbm>>, %arg7: memref<158x64xi32, #tpu.memory_space<vmem>>, %arg8: memref<158x64xi32, #tpu.memory_space<vmem>>, %arg9: memref<64x144xf32, #tpu.memory_space<vmem>>, %arg10: memref<64x144xf32, #tpu.memory_space<vmem>>, %arg11: memref<10112x144xf32, #tpu.memory_space<vmem_shared>>, %arg12: memref<!tpu.dma_semaphore, #tpu.memory_space<semaphore_mem>>, %arg13: memref<!tpu.dma_semaphore, #tpu.memory_space<semaphore_mem>>) attributes {dimension_semantics = [#tpu.dimension_semantics<core_parallel>, #tpu.dimension_semantics<subcore_parallel>], iteration_bounds = array<i64: 2, 16>, scalar_prefetch = 0 : i64, scratch_operands = 7 : i64, tpu.core_type = #tpu.core_type<sc_vector_subcore>, window_params = [{transform_indices = #map}, {transform_indices = #map1}, {transform_indices = #map1}, {transform_indices = #map}, {transform_indices = #map1}]} {
    %mul3A = arith.constant 16 : i32
    %mul3A_0 = arith.muli %arg0, %mul3A : i32
    %add3A = arith.addi %mul3A_0, %arg1 : i32
    %mul3A_1 = arith.constant 632 : i32
    %mul3A_2 = arith.muli %arg1, %mul3A_1 : i32
    "tpu.region"() ({
      %run_scoped3A_36 = tpu.sem_alloc : memref<!tpu.dma_semaphore, #tpu.memory_space<semaphore_mem>>
      %dma_start3A_37 = arith.constant 0 : i32
      %dma_start3A_38 = tpu.memref_slice %arg11[%mul3A_2, %dma_start3A_37] : memref<10112x144xf32, #tpu.memory_space<vmem_shared>> -> memref<632x144xf32, #tpu.memory_space<vmem_shared>>
      %dma_start3A_39 = arith.constant 0 : i32
      %dma_start3A_40 = tpu.memref_slice %arg5[%mul3A_2, %dma_start3A_39] : memref<10112x144xf32, #tpu.memory_space<hbm>> -> memref<632x144xf32, #tpu.memory_space<hbm>>
      tpu.enqueue_dma source(%dma_start3A_40 : memref<632x144xf32, #tpu.memory_space<hbm>>) target(%dma_start3A_38 : memref<632x144xf32, #tpu.memory_space<vmem_shared>>) target_semaphore(%run_scoped3A_36 : memref<!tpu.dma_semaphore, #tpu.memory_space<semaphore_mem>>)
      %dma_wait3A_41 = arith.constant 0 : i32
      %dma_wait3A_42 = tpu.memref_slice %arg11[%mul3A_2, %dma_wait3A_41] : memref<10112x144xf32, #tpu.memory_space<vmem_shared>> -> memref<632x144xf32, #tpu.memory_space<vmem_shared>>
      %dma_wait3A_43 = arith.constant 0 : i32
      %dma_wait3A_44 = tpu.memref_slice %arg5[%mul3A_2, %dma_wait3A_43] : memref<10112x144xf32, #tpu.memory_space<hbm>> -> memref<632x144xf32, #tpu.memory_space<hbm>>
      tpu.wait_dma2 semaphore(%run_scoped3A_36 : memref<!tpu.dma_semaphore, #tpu.memory_space<semaphore_mem>>) src(%dma_wait3A_44 : memref<632x144xf32, #tpu.memory_space<hbm>>) dst(%dma_wait3A_42 : memref<632x144xf32, #tpu.memory_space<vmem_shared>>)
      tpu.yield
    }) : () -> ()
    "tpu.region"() ({
      %run_scoped3A_36 = tpu.sem_alloc : memref<!tpu.dma_semaphore, #tpu.memory_space<semaphore_mem>>
      %dma_start3A_37 = arith.constant 0 : i32
      %dma_start3A_38 = arith.constant 0 : i32
      %dma_start3A_39 = tpu.memref_slice %arg3[%add3A, %dma_start3A_37, %dma_start3A_38] : memref<32x158x64xi32, #tpu.memory_space<hbm>> -> memref<1x158x64xi32, #tpu.memory_space<hbm>>
      %dma_start3A_40 = tpu.memref_squeeze %dma_start3A_39 : memref<1x158x64xi32, #tpu.memory_space<hbm>> -> memref<158x64xi32, #tpu.memory_space<hbm>>
      %dma_start3A_41 = arith.constant 0 : i32
      %dma_start3A_42 = arith.constant 0 : i32
      %dma_start3A_43 = tpu.memref_slice %arg3[%add3A, %dma_start3A_41, %dma_start3A_42] : memref<32x158x64xi32, #tpu.memory_space<hbm>> -> memref<1x158x64xi32, #tpu.memory_space<hbm>>
      %dma_start3A_44 = tpu.memref_squeeze %dma_start3A_43 : memref<1x158x64xi32, #tpu.memory_space<hbm>> -> memref<158x64xi32, #tpu.memory_space<hbm>>
      tpu.enqueue_dma source(%dma_start3A_44 : memref<158x64xi32, #tpu.memory_space<hbm>>) target(%arg7 : memref<158x64xi32, #tpu.memory_space<vmem>>) target_semaphore(%run_scoped3A_36 : memref<!tpu.dma_semaphore, #tpu.memory_space<semaphore_mem>>)
      %dma_wait3A_45 = arith.constant 0 : i32
      %dma_wait3A_46 = arith.constant 0 : i32
      %dma_wait3A_47 = tpu.memref_slice %arg3[%add3A, %dma_wait3A_45, %dma_wait3A_46] : memref<32x158x64xi32, #tpu.memory_space<hbm>> -> memref<1x158x64xi32, #tpu.memory_space<hbm>>
      %dma_wait3A_48 = tpu.memref_squeeze %dma_wait3A_47 : memref<1x158x64xi32, #tpu.memory_space<hbm>> -> memref<158x64xi32, #tpu.memory_space<hbm>>
      %dma_wait3A_49 = arith.constant 0 : i32
      %dma_wait3A_50 = arith.constant 0 : i32
      %dma_wait3A_51 = tpu.memref_slice %arg3[%add3A, %dma_wait3A_49, %dma_wait3A_50] : memref<32x158x64xi32, #tpu.memory_space<hbm>> -> memref<1x158x64xi32, #tpu.memory_space<hbm>>
      %dma_wait3A_52 = tpu.memref_squeeze %dma_wait3A_51 : memref<1x158x64xi32, #tpu.memory_space<hbm>> -> memref<158x64xi32, #tpu.memory_space<hbm>>
      tpu.wait_dma2 semaphore(%run_scoped3A_36 : memref<!tpu.dma_semaphore, #tpu.memory_space<semaphore_mem>>) src(%dma_wait3A_52 : memref<158x64xi32, #tpu.memory_space<hbm>>) dst(%arg7 : memref<158x64xi32, #tpu.memory_space<vmem>>)
      tpu.yield
    }) : () -> ()
    "tpu.region"() ({
      %run_scoped3A_36 = tpu.sem_alloc : memref<!tpu.dma_semaphore, #tpu.memory_space<semaphore_mem>>
      %dma_start3A_37 = arith.constant 0 : i32
      %dma_start3A_38 = arith.constant 0 : i32
      %dma_start3A_39 = tpu.memref_slice %arg4[%add3A, %dma_start3A_37, %dma_start3A_38] : memref<32x158x64xi32, #tpu.memory_space<hbm>> -> memref<1x158x64xi32, #tpu.memory_space<hbm>>
      %dma_start3A_40 = tpu.memref_squeeze %dma_start3A_39 : memref<1x158x64xi32, #tpu.memory_space<hbm>> -> memref<158x64xi32, #tpu.memory_space<hbm>>
      %dma_start3A_41 = arith.constant 0 : i32
      %dma_start3A_42 = arith.constant 0 : i32
      %dma_start3A_43 = tpu.memref_slice %arg4[%add3A, %dma_start3A_41, %dma_start3A_42] : memref<32x158x64xi32, #tpu.memory_space<hbm>> -> memref<1x158x64xi32, #tpu.memory_space<hbm>>
      %dma_start3A_44 = tpu.memref_squeeze %dma_start3A_43 : memref<1x158x64xi32, #tpu.memory_space<hbm>> -> memref<158x64xi32, #tpu.memory_space<hbm>>
      tpu.enqueue_dma source(%dma_start3A_44 : memref<158x64xi32, #tpu.memory_space<hbm>>) target(%arg8 : memref<158x64xi32, #tpu.memory_space<vmem>>) target_semaphore(%run_scoped3A_36 : memref<!tpu.dma_semaphore, #tpu.memory_space<semaphore_mem>>)
      %dma_wait3A_45 = arith.constant 0 : i32
      %dma_wait3A_46 = arith.constant 0 : i32
      %dma_wait3A_47 = tpu.memref_slice %arg4[%add3A, %dma_wait3A_45, %dma_wait3A_46] : memref<32x158x64xi32, #tpu.memory_space<hbm>> -> memref<1x158x64xi32, #tpu.memory_space<hbm>>
      %dma_wait3A_48 = tpu.memref_squeeze %dma_wait3A_47 : memref<1x158x64xi32, #tpu.memory_space<hbm>> -> memref<158x64xi32, #tpu.memory_space<hbm>>
      %dma_wait3A_49 = arith.constant 0 : i32
      %dma_wait3A_50 = arith.constant 0 : i32
      %dma_wait3A_51 = tpu.memref_slice %arg4[%add3A, %dma_wait3A_49, %dma_wait3A_50] : memref<32x158x64xi32, #tpu.memory_space<hbm>> -> memref<1x158x64xi32, #tpu.memory_space<hbm>>
      %dma_wait3A_52 = tpu.memref_squeeze %dma_wait3A_51 : memref<1x158x64xi32, #tpu.memory_space<hbm>> -> memref<158x64xi32, #tpu.memory_space<hbm>>
      tpu.wait_dma2 semaphore(%run_scoped3A_36 : memref<!tpu.dma_semaphore, #tpu.memory_space<semaphore_mem>>) src(%dma_wait3A_52 : memref<158x64xi32, #tpu.memory_space<hbm>>) dst(%arg8 : memref<158x64xi32, #tpu.memory_space<vmem>>)
      tpu.yield
    }) : () -> ()
    %barrier3A = arith.constant 0 : index
    tpu.barrier barrier_id(%barrier3A)
    %dma_start3A = arith.constant 0 : i32
    %dma_start3A_3 = arith.constant 0 : i32
    %dma_start3A_4 = tpu.memref_slice %arg7[%dma_start3A, %dma_start3A_3] : memref<158x64xi32, #tpu.memory_space<vmem>> -> memref<1x64xi32, #tpu.memory_space<vmem>>
    %dma_start3A_5 = tpu.memref_squeeze %dma_start3A_4 : memref<1x64xi32, #tpu.memory_space<vmem>> -> memref<64xi32, #tpu.memory_space<vmem>>
    %dma_start3A_6 = arith.constant 0 : i32
    %dma_start3A_7 = arith.constant 0 : i32
    %dma_start3A_8 = tpu.memref_slice %arg2[%dma_start3A_6, %dma_start3A_7] : memref<10000x144xf32, #tpu.memory_space<hbm>> -> memref<10000x144xf32, #tpu.memory_space<hbm>>
    tpu.enqueue_indirect_dma source(%dma_start3A_8 : memref<10000x144xf32, #tpu.memory_space<hbm>>) target(%arg9 : memref<64x144xf32, #tpu.memory_space<vmem>>) offsets(%dma_start3A_5 : memref<64xi32, #tpu.memory_space<vmem>>) semaphore(%arg12 : memref<!tpu.dma_semaphore, #tpu.memory_space<semaphore_mem>>)
    %scan3A = arith.constant 0 : i32
    %scan3A_9 = arith.constant 0 : i32
    %scan3A_10 = arith.constant 78 : i32
    %scan3A_11 = arith.addi %scan3A_9, %scan3A_10 : i32
    %scan3A_12 = arith.constant 1 : i32
    scf.for %scan3A_36 = %scan3A_9 to %scan3A_11 step %scan3A_12  : i32 {
      %mul3A_37 = arith.constant 2 : i32
      %mul3A_38 = arith.muli %mul3A_37, %scan3A_36 : i32
      %add3A_39 = arith.constant 1 : i32
      %add3A_40 = arith.addi %mul3A_38, %add3A_39 : i32
      %dma_start3A_41 = arith.constant 0 : i32
      %dma_start3A_42 = tpu.memref_slice %arg7[%add3A_40, %dma_start3A_41] : memref<158x64xi32, #tpu.memory_space<vmem>> -> memref<1x64xi32, #tpu.memory_space<vmem>>
      %dma_start3A_43 = tpu.memref_squeeze %dma_start3A_42 : memref<1x64xi32, #tpu.memory_space<vmem>> -> memref<64xi32, #tpu.memory_space<vmem>>
      %dma_start3A_44 = arith.constant 0 : i32
      %dma_start3A_45 = arith.constant 0 : i32
      %dma_start3A_46 = tpu.memref_slice %arg2[%dma_start3A_44, %dma_start3A_45] : memref<10000x144xf32, #tpu.memory_space<hbm>> -> memref<10000x144xf32, #tpu.memory_space<hbm>>
      tpu.enqueue_indirect_dma source(%dma_start3A_46 : memref<10000x144xf32, #tpu.memory_space<hbm>>) target(%arg10 : memref<64x144xf32, #tpu.memory_space<vmem>>) offsets(%dma_start3A_43 : memref<64xi32, #tpu.memory_space<vmem>>) semaphore(%arg13 : memref<!tpu.dma_semaphore, #tpu.memory_space<semaphore_mem>>)
      %dma_wait3A_47 = arith.constant 0 : i32
      %dma_wait3A_48 = tpu.memref_slice %arg7[%mul3A_38, %dma_wait3A_47] : memref<158x64xi32, #tpu.memory_space<vmem>> -> memref<1x64xi32, #tpu.memory_space<vmem>>
      %dma_wait3A_49 = tpu.memref_squeeze %dma_wait3A_48 : memref<1x64xi32, #tpu.memory_space<vmem>> -> memref<64xi32, #tpu.memory_space<vmem>>
      %dma_wait3A_50 = arith.constant 0 : i32
      %dma_wait3A_51 = arith.constant 0 : i32
      %dma_wait3A_52 = tpu.memref_slice %arg2[%dma_wait3A_50, %dma_wait3A_51] : memref<10000x144xf32, #tpu.memory_space<hbm>> -> memref<10000x144xf32, #tpu.memory_space<hbm>>
      tpu.wait_indirect_dma semaphore(%arg12 : memref<!tpu.dma_semaphore, #tpu.memory_space<semaphore_mem>>) src(%dma_wait3A_52 : memref<10000x144xf32, #tpu.memory_space<hbm>>) dst(%arg9 : memref<64x144xf32, #tpu.memory_space<vmem>>)
      "tpu.region"() ({
        %run_scoped3A_71 = tpu.sem_alloc : memref<!tpu.dma_semaphore, #tpu.memory_space<semaphore_mem>>
        %dma_start3A_72 = arith.constant 0 : i32
        %dma_start3A_73 = tpu.memref_slice %arg8[%mul3A_38, %dma_start3A_72] : memref<158x64xi32, #tpu.memory_space<vmem>> -> memref<1x64xi32, #tpu.memory_space<vmem>>
        %dma_start3A_74 = tpu.memref_squeeze %dma_start3A_73 : memref<1x64xi32, #tpu.memory_space<vmem>> -> memref<64xi32, #tpu.memory_space<vmem>>
        %dma_start3A_75 = arith.constant 0 : i32
        %dma_start3A_76 = arith.constant 0 : i32
        %dma_start3A_77 = tpu.memref_slice %arg11[%dma_start3A_75, %dma_start3A_76] : memref<10112x144xf32, #tpu.memory_space<vmem_shared>> -> memref<10112x144xf32, #tpu.memory_space<vmem_shared>>
        tpu.enqueue_indirect_dma source(%arg9 : memref<64x144xf32, #tpu.memory_space<vmem>>) target(%dma_start3A_77 : memref<10112x144xf32, #tpu.memory_space<vmem_shared>>) offsets(%dma_start3A_74 : memref<64xi32, #tpu.memory_space<vmem>>) semaphore(%run_scoped3A_71 : memref<!tpu.dma_semaphore, #tpu.memory_space<semaphore_mem>>) {add = true}
        %dma_wait3A_78 = arith.constant 0 : i32
        %dma_wait3A_79 = tpu.memref_slice %arg8[%mul3A_38, %dma_wait3A_78] : memref<158x64xi32, #tpu.memory_space<vmem>> -> memref<1x64xi32, #tpu.memory_space<vmem>>
        %dma_wait3A_80 = tpu.memref_squeeze %dma_wait3A_79 : memref<1x64xi32, #tpu.memory_space<vmem>> -> memref<64xi32, #tpu.memory_space<vmem>>
        %dma_wait3A_81 = arith.constant 0 : i32
        %dma_wait3A_82 = arith.constant 0 : i32
        %dma_wait3A_83 = tpu.memref_slice %arg11[%dma_wait3A_81, %dma_wait3A_82] : memref<10112x144xf32, #tpu.memory_space<vmem_shared>> -> memref<10112x144xf32, #tpu.memory_space<vmem_shared>>
        tpu.wait_indirect_dma semaphore(%run_scoped3A_71 : memref<!tpu.dma_semaphore, #tpu.memory_space<semaphore_mem>>) src(%arg9 : memref<64x144xf32, #tpu.memory_space<vmem>>) dst(%dma_wait3A_83 : memref<10112x144xf32, #tpu.memory_space<vmem_shared>>)
        tpu.yield
      }) : () -> ()
      %add3A_53 = arith.constant 2 : i32
      %add3A_54 = arith.addi %mul3A_38, %add3A_53 : i32
      %dma_start3A_55 = arith.constant 0 : i32
      %dma_start3A_56 = tpu.memref_slice %arg7[%add3A_54, %dma_start3A_55] : memref<158x64xi32, #tpu.memory_space<vmem>> -> memref<1x64xi32, #tpu.memory_space<vmem>>
      %dma_start3A_57 = tpu.memref_squeeze %dma_start3A_56 : memref<1x64xi32, #tpu.memory_space<vmem>> -> memref<64xi32, #tpu.memory_space<vmem>>
      %dma_start3A_58 = arith.constant 0 : i32
      %dma_start3A_59 = arith.constant 0 : i32
      %dma_start3A_60 = tpu.memref_slice %arg2[%dma_start3A_58, %dma_start3A_59] : memref<10000x144xf32, #tpu.memory_space<hbm>> -> memref<10000x144xf32, #tpu.memory_space<hbm>>
      tpu.enqueue_indirect_dma source(%dma_start3A_60 : memref<10000x144xf32, #tpu.memory_space<hbm>>) target(%arg9 : memref<64x144xf32, #tpu.memory_space<vmem>>) offsets(%dma_start3A_57 : memref<64xi32, #tpu.memory_space<vmem>>) semaphore(%arg12 : memref<!tpu.dma_semaphore, #tpu.memory_space<semaphore_mem>>)
      %add3A_61 = arith.constant 1 : i32
      %add3A_62 = arith.addi %mul3A_38, %add3A_61 : i32
      %dma_wait3A_63 = arith.constant 0 : i32
      %dma_wait3A_64 = tpu.memref_slice %arg7[%add3A_62, %dma_wait3A_63] : memref<158x64xi32, #tpu.memory_space<vmem>> -> memref<1x64xi32, #tpu.memory_space<vmem>>
      %dma_wait3A_65 = tpu.memref_squeeze %dma_wait3A_64 : memref<1x64xi32, #tpu.memory_space<vmem>> -> memref<64xi32, #tpu.memory_space<vmem>>
      %dma_wait3A_66 = arith.constant 0 : i32
      %dma_wait3A_67 = arith.constant 0 : i32
      %dma_wait3A_68 = tpu.memref_slice %arg2[%dma_wait3A_66, %dma_wait3A_67] : memref<10000x144xf32, #tpu.memory_space<hbm>> -> memref<10000x144xf32, #tpu.memory_space<hbm>>
      tpu.wait_indirect_dma semaphore(%arg13 : memref<!tpu.dma_semaphore, #tpu.memory_space<semaphore_mem>>) src(%dma_wait3A_68 : memref<10000x144xf32, #tpu.memory_space<hbm>>) dst(%arg10 : memref<64x144xf32, #tpu.memory_space<vmem>>)
      %add3A_69 = arith.constant 1 : i32
      %add3A_70 = arith.addi %mul3A_38, %add3A_69 : i32
      "tpu.region"() ({
        %run_scoped3A_71 = tpu.sem_alloc : memref<!tpu.dma_semaphore, #tpu.memory_space<semaphore_mem>>
        %dma_start3A_72 = arith.constant 0 : i32
        %dma_start3A_73 = tpu.memref_slice %arg8[%add3A_70, %dma_start3A_72] : memref<158x64xi32, #tpu.memory_space<vmem>> -> memref<1x64xi32, #tpu.memory_space<vmem>>
        %dma_start3A_74 = tpu.memref_squeeze %dma_start3A_73 : memref<1x64xi32, #tpu.memory_space<vmem>> -> memref<64xi32, #tpu.memory_space<vmem>>
        %dma_start3A_75 = arith.constant 0 : i32
        %dma_start3A_76 = arith.constant 0 : i32
        %dma_start3A_77 = tpu.memref_slice %arg11[%dma_start3A_75, %dma_start3A_76] : memref<10112x144xf32, #tpu.memory_space<vmem_shared>> -> memref<10112x144xf32, #tpu.memory_space<vmem_shared>>
        tpu.enqueue_indirect_dma source(%arg10 : memref<64x144xf32, #tpu.memory_space<vmem>>) target(%dma_start3A_77 : memref<10112x144xf32, #tpu.memory_space<vmem_shared>>) offsets(%dma_start3A_74 : memref<64xi32, #tpu.memory_space<vmem>>) semaphore(%run_scoped3A_71 : memref<!tpu.dma_semaphore, #tpu.memory_space<semaphore_mem>>) {add = true}
        %dma_wait3A_78 = arith.constant 0 : i32
        %dma_wait3A_79 = tpu.memref_slice %arg8[%add3A_70, %dma_wait3A_78] : memref<158x64xi32, #tpu.memory_space<vmem>> -> memref<1x64xi32, #tpu.memory_space<vmem>>
        %dma_wait3A_80 = tpu.memref_squeeze %dma_wait3A_79 : memref<1x64xi32, #tpu.memory_space<vmem>> -> memref<64xi32, #tpu.memory_space<vmem>>
        %dma_wait3A_81 = arith.constant 0 : i32
        %dma_wait3A_82 = arith.constant 0 : i32
        %dma_wait3A_83 = tpu.memref_slice %arg11[%dma_wait3A_81, %dma_wait3A_82] : memref<10112x144xf32, #tpu.memory_space<vmem_shared>> -> memref<10112x144xf32, #tpu.memory_space<vmem_shared>>
        tpu.wait_indirect_dma semaphore(%run_scoped3A_71 : memref<!tpu.dma_semaphore, #tpu.memory_space<semaphore_mem>>) src(%arg10 : memref<64x144xf32, #tpu.memory_space<vmem>>) dst(%dma_wait3A_83 : memref<10112x144xf32, #tpu.memory_space<vmem_shared>>)
        tpu.yield
      }) : () -> ()
    }
    %scan3A_13 = arith.constant 78 : i32
    %dma_start3A_14 = arith.constant 157 : i32
    %dma_start3A_15 = arith.constant 0 : i32
    %dma_start3A_16 = tpu.memref_slice %arg7[%dma_start3A_14, %dma_start3A_15] : memref<158x64xi32, #tpu.memory_space<vmem>> -> memref<1x64xi32, #tpu.memory_space<vmem>>
    %dma_start3A_17 = tpu.memref_squeeze %dma_start3A_16 : memref<1x64xi32, #tpu.memory_space<vmem>> -> memref<64xi32, #tpu.memory_space<vmem>>
    %dma_start3A_18 = arith.constant 0 : i32
    %dma_start3A_19 = arith.constant 0 : i32
    %dma_start3A_20 = tpu.memref_slice %arg2[%dma_start3A_18, %dma_start3A_19] : memref<10000x144xf32, #tpu.memory_space<hbm>> -> memref<10000x144xf32, #tpu.memory_space<hbm>>
    tpu.enqueue_indirect_dma source(%dma_start3A_20 : memref<10000x144xf32, #tpu.memory_space<hbm>>) target(%arg10 : memref<64x144xf32, #tpu.memory_space<vmem>>) offsets(%dma_start3A_17 : memref<64xi32, #tpu.memory_space<vmem>>) semaphore(%arg13 : memref<!tpu.dma_semaphore, #tpu.memory_space<semaphore_mem>>)
    %dma_wait3A = arith.constant 156 : i32
    %dma_wait3A_21 = arith.constant 0 : i32
    %dma_wait3A_22 = tpu.memref_slice %arg7[%dma_wait3A, %dma_wait3A_21] : memref<158x64xi32, #tpu.memory_space<vmem>> -> memref<1x64xi32, #tpu.memory_space<vmem>>
    %dma_wait3A_23 = tpu.memref_squeeze %dma_wait3A_22 : memref<1x64xi32, #tpu.memory_space<vmem>> -> memref<64xi32, #tpu.memory_space<vmem>>
    %dma_wait3A_24 = arith.constant 0 : i32
    %dma_wait3A_25 = arith.constant 0 : i32
    %dma_wait3A_26 = tpu.memref_slice %arg2[%dma_wait3A_24, %dma_wait3A_25] : memref<10000x144xf32, #tpu.memory_space<hbm>> -> memref<10000x144xf32, #tpu.memory_space<hbm>>
    tpu.wait_indirect_dma semaphore(%arg12 : memref<!tpu.dma_semaphore, #tpu.memory_space<semaphore_mem>>) src(%dma_wait3A_26 : memref<10000x144xf32, #tpu.memory_space<hbm>>) dst(%arg9 : memref<64x144xf32, #tpu.memory_space<vmem>>)
    %run_scoped3A = arith.constant 156 : i32
    "tpu.region"() ({
      %run_scoped3A_36 = tpu.sem_alloc : memref<!tpu.dma_semaphore, #tpu.memory_space<semaphore_mem>>
      %dma_start3A_37 = arith.constant 0 : i32
      %dma_start3A_38 = tpu.memref_slice %arg8[%run_scoped3A, %dma_start3A_37] : memref<158x64xi32, #tpu.memory_space<vmem>> -> memref<1x64xi32, #tpu.memory_space<vmem>>
      %dma_start3A_39 = tpu.memref_squeeze %dma_start3A_38 : memref<1x64xi32, #tpu.memory_space<vmem>> -> memref<64xi32, #tpu.memory_space<vmem>>
      %dma_start3A_40 = arith.constant 0 : i32
      %dma_start3A_41 = arith.constant 0 : i32
      %dma_start3A_42 = tpu.memref_slice %arg11[%dma_start3A_40, %dma_start3A_41] : memref<10112x144xf32, #tpu.memory_space<vmem_shared>> -> memref<10112x144xf32, #tpu.memory_space<vmem_shared>>
      tpu.enqueue_indirect_dma source(%arg9 : memref<64x144xf32, #tpu.memory_space<vmem>>) target(%dma_start3A_42 : memref<10112x144xf32, #tpu.memory_space<vmem_shared>>) offsets(%dma_start3A_39 : memref<64xi32, #tpu.memory_space<vmem>>) semaphore(%run_scoped3A_36 : memref<!tpu.dma_semaphore, #tpu.memory_space<semaphore_mem>>) {add = true}
      %dma_wait3A_43 = arith.constant 0 : i32
      %dma_wait3A_44 = tpu.memref_slice %arg8[%run_scoped3A, %dma_wait3A_43] : memref<158x64xi32, #tpu.memory_space<vmem>> -> memref<1x64xi32, #tpu.memory_space<vmem>>
      %dma_wait3A_45 = tpu.memref_squeeze %dma_wait3A_44 : memref<1x64xi32, #tpu.memory_space<vmem>> -> memref<64xi32, #tpu.memory_space<vmem>>
      %dma_wait3A_46 = arith.constant 0 : i32
      %dma_wait3A_47 = arith.constant 0 : i32
      %dma_wait3A_48 = tpu.memref_slice %arg11[%dma_wait3A_46, %dma_wait3A_47] : memref<10112x144xf32, #tpu.memory_space<vmem_shared>> -> memref<10112x144xf32, #tpu.memory_space<vmem_shared>>
      tpu.wait_indirect_dma semaphore(%run_scoped3A_36 : memref<!tpu.dma_semaphore, #tpu.memory_space<semaphore_mem>>) src(%arg9 : memref<64x144xf32, #tpu.memory_space<vmem>>) dst(%dma_wait3A_48 : memref<10112x144xf32, #tpu.memory_space<vmem_shared>>)
      tpu.yield
    }) : () -> ()
    %dma_wait3A_27 = arith.constant 157 : i32
    %dma_wait3A_28 = arith.constant 0 : i32
    %dma_wait3A_29 = tpu.memref_slice %arg7[%dma_wait3A_27, %dma_wait3A_28] : memref<158x64xi32, #tpu.memory_space<vmem>> -> memref<1x64xi32, #tpu.memory_space<vmem>>
    %dma_wait3A_30 = tpu.memref_squeeze %dma_wait3A_29 : memref<1x64xi32, #tpu.memory_space<vmem>> -> memref<64xi32, #tpu.memory_space<vmem>>
    %dma_wait3A_31 = arith.constant 0 : i32
    %dma_wait3A_32 = arith.constant 0 : i32
    %dma_wait3A_33 = tpu.memref_slice %arg2[%dma_wait3A_31, %dma_wait3A_32] : memref<10000x144xf32, #tpu.memory_space<hbm>> -> memref<10000x144xf32, #tpu.memory_space<hbm>>
    tpu.wait_indirect_dma semaphore(%arg13 : memref<!tpu.dma_semaphore, #tpu.memory_space<semaphore_mem>>) src(%dma_wait3A_33 : memref<10000x144xf32, #tpu.memory_space<hbm>>) dst(%arg10 : memref<64x144xf32, #tpu.memory_space<vmem>>)
    %run_scoped3A_34 = arith.constant 157 : i32
    "tpu.region"() ({
      %run_scoped3A_36 = tpu.sem_alloc : memref<!tpu.dma_semaphore, #tpu.memory_space<semaphore_mem>>
      %dma_start3A_37 = arith.constant 0 : i32
      %dma_start3A_38 = tpu.memref_slice %arg8[%run_scoped3A_34, %dma_start3A_37] : memref<158x64xi32, #tpu.memory_space<vmem>> -> memref<1x64xi32, #tpu.memory_space<vmem>>
      %dma_start3A_39 = tpu.memref_squeeze %dma_start3A_38 : memref<1x64xi32, #tpu.memory_space<vmem>> -> memref<64xi32, #tpu.memory_space<vmem>>
      %dma_start3A_40 = arith.constant 0 : i32
      %dma_start3A_41 = arith.constant 0 : i32
      %dma_start3A_42 = tpu.memref_slice %arg11[%dma_start3A_40, %dma_start3A_41] : memref<10112x144xf32, #tpu.memory_space<vmem_shared>> -> memref<10112x144xf32, #tpu.memory_space<vmem_shared>>
      tpu.enqueue_indirect_dma source(%arg10 : memref<64x144xf32, #tpu.memory_space<vmem>>) target(%dma_start3A_42 : memref<10112x144xf32, #tpu.memory_space<vmem_shared>>) offsets(%dma_start3A_39 : memref<64xi32, #tpu.memory_space<vmem>>) semaphore(%run_scoped3A_36 : memref<!tpu.dma_semaphore, #tpu.memory_space<semaphore_mem>>) {add = true}
      %dma_wait3A_43 = arith.constant 0 : i32
      %dma_wait3A_44 = tpu.memref_slice %arg8[%run_scoped3A_34, %dma_wait3A_43] : memref<158x64xi32, #tpu.memory_space<vmem>> -> memref<1x64xi32, #tpu.memory_space<vmem>>
      %dma_wait3A_45 = tpu.memref_squeeze %dma_wait3A_44 : memref<1x64xi32, #tpu.memory_space<vmem>> -> memref<64xi32, #tpu.memory_space<vmem>>
      %dma_wait3A_46 = arith.constant 0 : i32
      %dma_wait3A_47 = arith.constant 0 : i32
      %dma_wait3A_48 = tpu.memref_slice %arg11[%dma_wait3A_46, %dma_wait3A_47] : memref<10112x144xf32, #tpu.memory_space<vmem_shared>> -> memref<10112x144xf32, #tpu.memory_space<vmem_shared>>
      tpu.wait_indirect_dma semaphore(%run_scoped3A_36 : memref<!tpu.dma_semaphore, #tpu.memory_space<semaphore_mem>>) src(%arg10 : memref<64x144xf32, #tpu.memory_space<vmem>>) dst(%dma_wait3A_48 : memref<10112x144xf32, #tpu.memory_space<vmem_shared>>)
      tpu.yield
    }) : () -> ()
    %barrier3A_35 = arith.constant 0 : index
    tpu.barrier barrier_id(%barrier3A_35)
    "tpu.region"() ({
      %run_scoped3A_36 = tpu.sem_alloc : memref<!tpu.dma_semaphore, #tpu.memory_space<semaphore_mem>>
      %dma_start3A_37 = arith.constant 0 : i32
      %dma_start3A_38 = tpu.memref_slice %arg6[%arg0, %mul3A_2, %dma_start3A_37] : memref<2x10112x144xf32, #tpu.memory_space<hbm>> -> memref<1x632x144xf32, #tpu.memory_space<hbm>>
      %dma_start3A_39 = tpu.memref_squeeze %dma_start3A_38 : memref<1x632x144xf32, #tpu.memory_space<hbm>> -> memref<632x144xf32, #tpu.memory_space<hbm>>
      %dma_start3A_40 = arith.constant 0 : i32
      %dma_start3A_41 = tpu.memref_slice %arg11[%mul3A_2, %dma_start3A_40] : memref<10112x144xf32, #tpu.memory_space<vmem_shared>> -> memref<632x144xf32, #tpu.memory_space<vmem_shared>>
      tpu.enqueue_dma source(%dma_start3A_41 : memref<632x144xf32, #tpu.memory_space<vmem_shared>>) target(%dma_start3A_39 : memref<632x144xf32, #tpu.memory_space<hbm>>) target_semaphore(%run_scoped3A_36 : memref<!tpu.dma_semaphore, #tpu.memory_space<semaphore_mem>>)
      %dma_wait3A_42 = arith.constant 0 : i32
      %dma_wait3A_43 = tpu.memref_slice %arg6[%arg0, %mul3A_2, %dma_wait3A_42] : memref<2x10112x144xf32, #tpu.memory_space<hbm>> -> memref<1x632x144xf32, #tpu.memory_space<hbm>>
      %dma_wait3A_44 = tpu.memref_squeeze %dma_wait3A_43 : memref<1x632x144xf32, #tpu.memory_space<hbm>> -> memref<632x144xf32, #tpu.memory_space<hbm>>
      %dma_wait3A_45 = arith.constant 0 : i32
      %dma_wait3A_46 = tpu.memref_slice %arg11[%mul3A_2, %dma_wait3A_45] : memref<10112x144xf32, #tpu.memory_space<vmem_shared>> -> memref<632x144xf32, #tpu.memory_space<vmem_shared>>
      tpu.wait_dma2 semaphore(%run_scoped3A_36 : memref<!tpu.dma_semaphore, #tpu.memory_space<semaphore_mem>>) src(%dma_wait3A_46 : memref<632x144xf32, #tpu.memory_space<vmem_shared>>) dst(%dma_wait3A_44 : memref<632x144xf32, #tpu.memory_space<hbm>>)
      tpu.yield
    }) : () -> ()
    return
  }
}

#map = affine_map<(d0, d1) -> (0, 0)>
#map1 = affine_map<(d0, d1) -> (0, 0, 0)>
module attributes {stable_mosaic.version = 14 : i64} {
  func.func @segsum(%arg0: i32, %arg1: i32, %arg2: memref<10000x48xf32, #tpu.memory_space<hbm>>, %arg3: memref<32x158x64xi32, #tpu.memory_space<hbm>>, %arg4: memref<32x158x64xi32, #tpu.memory_space<hbm>>, %arg5: memref<10112x48xf32, #tpu.memory_space<hbm>>, %arg6: memref<2x10112x48xf32, #tpu.memory_space<hbm>>, %arg7: memref<158x64xi32, #tpu.memory_space<vmem>>, %arg8: memref<158x64xi32, #tpu.memory_space<vmem>>, %arg9: memref<64x48xf32, #tpu.memory_space<vmem>>, %arg10: memref<64x48xf32, #tpu.memory_space<vmem>>, %arg11: memref<10112x48xf32, #tpu.memory_space<vmem_shared>>, %arg12: memref<!tpu.dma_semaphore, #tpu.memory_space<semaphore_mem>>, %arg13: memref<!tpu.dma_semaphore, #tpu.memory_space<semaphore_mem>>) attributes {dimension_semantics = [#tpu.dimension_semantics<core_parallel>, #tpu.dimension_semantics<subcore_parallel>], iteration_bounds = array<i64: 2, 16>, scalar_prefetch = 0 : i64, scratch_operands = 7 : i64, tpu.core_type = #tpu.core_type<sc_vector_subcore>, window_params = [{transform_indices = #map}, {transform_indices = #map1}, {transform_indices = #map1}, {transform_indices = #map}, {transform_indices = #map1}]} {
    %mul3A = arith.constant 16 : i32
    %mul3A_0 = arith.muli %arg0, %mul3A : i32
    %add3A = arith.addi %mul3A_0, %arg1 : i32
    %mul3A_1 = arith.constant 632 : i32
    %mul3A_2 = arith.muli %arg1, %mul3A_1 : i32
    "tpu.region"() ({
      %run_scoped3A_36 = tpu.sem_alloc : memref<!tpu.dma_semaphore, #tpu.memory_space<semaphore_mem>>
      %dma_start3A_37 = arith.constant 0 : i32
      %dma_start3A_38 = tpu.memref_slice %arg11[%mul3A_2, %dma_start3A_37] : memref<10112x48xf32, #tpu.memory_space<vmem_shared>> -> memref<632x48xf32, #tpu.memory_space<vmem_shared>>
      %dma_start3A_39 = arith.constant 0 : i32
      %dma_start3A_40 = tpu.memref_slice %arg5[%mul3A_2, %dma_start3A_39] : memref<10112x48xf32, #tpu.memory_space<hbm>> -> memref<632x48xf32, #tpu.memory_space<hbm>>
      tpu.enqueue_dma source(%dma_start3A_40 : memref<632x48xf32, #tpu.memory_space<hbm>>) target(%dma_start3A_38 : memref<632x48xf32, #tpu.memory_space<vmem_shared>>) target_semaphore(%run_scoped3A_36 : memref<!tpu.dma_semaphore, #tpu.memory_space<semaphore_mem>>)
      %dma_wait3A_41 = arith.constant 0 : i32
      %dma_wait3A_42 = tpu.memref_slice %arg11[%mul3A_2, %dma_wait3A_41] : memref<10112x48xf32, #tpu.memory_space<vmem_shared>> -> memref<632x48xf32, #tpu.memory_space<vmem_shared>>
      %dma_wait3A_43 = arith.constant 0 : i32
      %dma_wait3A_44 = tpu.memref_slice %arg5[%mul3A_2, %dma_wait3A_43] : memref<10112x48xf32, #tpu.memory_space<hbm>> -> memref<632x48xf32, #tpu.memory_space<hbm>>
      tpu.wait_dma2 semaphore(%run_scoped3A_36 : memref<!tpu.dma_semaphore, #tpu.memory_space<semaphore_mem>>) src(%dma_wait3A_44 : memref<632x48xf32, #tpu.memory_space<hbm>>) dst(%dma_wait3A_42 : memref<632x48xf32, #tpu.memory_space<vmem_shared>>)
      tpu.yield
    }) : () -> ()
    "tpu.region"() ({
      %run_scoped3A_36 = tpu.sem_alloc : memref<!tpu.dma_semaphore, #tpu.memory_space<semaphore_mem>>
      %dma_start3A_37 = arith.constant 0 : i32
      %dma_start3A_38 = arith.constant 0 : i32
      %dma_start3A_39 = tpu.memref_slice %arg3[%add3A, %dma_start3A_37, %dma_start3A_38] : memref<32x158x64xi32, #tpu.memory_space<hbm>> -> memref<1x158x64xi32, #tpu.memory_space<hbm>>
      %dma_start3A_40 = tpu.memref_squeeze %dma_start3A_39 : memref<1x158x64xi32, #tpu.memory_space<hbm>> -> memref<158x64xi32, #tpu.memory_space<hbm>>
      %dma_start3A_41 = arith.constant 0 : i32
      %dma_start3A_42 = arith.constant 0 : i32
      %dma_start3A_43 = tpu.memref_slice %arg3[%add3A, %dma_start3A_41, %dma_start3A_42] : memref<32x158x64xi32, #tpu.memory_space<hbm>> -> memref<1x158x64xi32, #tpu.memory_space<hbm>>
      %dma_start3A_44 = tpu.memref_squeeze %dma_start3A_43 : memref<1x158x64xi32, #tpu.memory_space<hbm>> -> memref<158x64xi32, #tpu.memory_space<hbm>>
      tpu.enqueue_dma source(%dma_start3A_44 : memref<158x64xi32, #tpu.memory_space<hbm>>) target(%arg7 : memref<158x64xi32, #tpu.memory_space<vmem>>) target_semaphore(%run_scoped3A_36 : memref<!tpu.dma_semaphore, #tpu.memory_space<semaphore_mem>>)
      %dma_wait3A_45 = arith.constant 0 : i32
      %dma_wait3A_46 = arith.constant 0 : i32
      %dma_wait3A_47 = tpu.memref_slice %arg3[%add3A, %dma_wait3A_45, %dma_wait3A_46] : memref<32x158x64xi32, #tpu.memory_space<hbm>> -> memref<1x158x64xi32, #tpu.memory_space<hbm>>
      %dma_wait3A_48 = tpu.memref_squeeze %dma_wait3A_47 : memref<1x158x64xi32, #tpu.memory_space<hbm>> -> memref<158x64xi32, #tpu.memory_space<hbm>>
      %dma_wait3A_49 = arith.constant 0 : i32
      %dma_wait3A_50 = arith.constant 0 : i32
      %dma_wait3A_51 = tpu.memref_slice %arg3[%add3A, %dma_wait3A_49, %dma_wait3A_50] : memref<32x158x64xi32, #tpu.memory_space<hbm>> -> memref<1x158x64xi32, #tpu.memory_space<hbm>>
      %dma_wait3A_52 = tpu.memref_squeeze %dma_wait3A_51 : memref<1x158x64xi32, #tpu.memory_space<hbm>> -> memref<158x64xi32, #tpu.memory_space<hbm>>
      tpu.wait_dma2 semaphore(%run_scoped3A_36 : memref<!tpu.dma_semaphore, #tpu.memory_space<semaphore_mem>>) src(%dma_wait3A_52 : memref<158x64xi32, #tpu.memory_space<hbm>>) dst(%arg7 : memref<158x64xi32, #tpu.memory_space<vmem>>)
      tpu.yield
    }) : () -> ()
    "tpu.region"() ({
      %run_scoped3A_36 = tpu.sem_alloc : memref<!tpu.dma_semaphore, #tpu.memory_space<semaphore_mem>>
      %dma_start3A_37 = arith.constant 0 : i32
      %dma_start3A_38 = arith.constant 0 : i32
      %dma_start3A_39 = tpu.memref_slice %arg4[%add3A, %dma_start3A_37, %dma_start3A_38] : memref<32x158x64xi32, #tpu.memory_space<hbm>> -> memref<1x158x64xi32, #tpu.memory_space<hbm>>
      %dma_start3A_40 = tpu.memref_squeeze %dma_start3A_39 : memref<1x158x64xi32, #tpu.memory_space<hbm>> -> memref<158x64xi32, #tpu.memory_space<hbm>>
      %dma_start3A_41 = arith.constant 0 : i32
      %dma_start3A_42 = arith.constant 0 : i32
      %dma_start3A_43 = tpu.memref_slice %arg4[%add3A, %dma_start3A_41, %dma_start3A_42] : memref<32x158x64xi32, #tpu.memory_space<hbm>> -> memref<1x158x64xi32, #tpu.memory_space<hbm>>
      %dma_start3A_44 = tpu.memref_squeeze %dma_start3A_43 : memref<1x158x64xi32, #tpu.memory_space<hbm>> -> memref<158x64xi32, #tpu.memory_space<hbm>>
      tpu.enqueue_dma source(%dma_start3A_44 : memref<158x64xi32, #tpu.memory_space<hbm>>) target(%arg8 : memref<158x64xi32, #tpu.memory_space<vmem>>) target_semaphore(%run_scoped3A_36 : memref<!tpu.dma_semaphore, #tpu.memory_space<semaphore_mem>>)
      %dma_wait3A_45 = arith.constant 0 : i32
      %dma_wait3A_46 = arith.constant 0 : i32
      %dma_wait3A_47 = tpu.memref_slice %arg4[%add3A, %dma_wait3A_45, %dma_wait3A_46] : memref<32x158x64xi32, #tpu.memory_space<hbm>> -> memref<1x158x64xi32, #tpu.memory_space<hbm>>
      %dma_wait3A_48 = tpu.memref_squeeze %dma_wait3A_47 : memref<1x158x64xi32, #tpu.memory_space<hbm>> -> memref<158x64xi32, #tpu.memory_space<hbm>>
      %dma_wait3A_49 = arith.constant 0 : i32
      %dma_wait3A_50 = arith.constant 0 : i32
      %dma_wait3A_51 = tpu.memref_slice %arg4[%add3A, %dma_wait3A_49, %dma_wait3A_50] : memref<32x158x64xi32, #tpu.memory_space<hbm>> -> memref<1x158x64xi32, #tpu.memory_space<hbm>>
      %dma_wait3A_52 = tpu.memref_squeeze %dma_wait3A_51 : memref<1x158x64xi32, #tpu.memory_space<hbm>> -> memref<158x64xi32, #tpu.memory_space<hbm>>
      tpu.wait_dma2 semaphore(%run_scoped3A_36 : memref<!tpu.dma_semaphore, #tpu.memory_space<semaphore_mem>>) src(%dma_wait3A_52 : memref<158x64xi32, #tpu.memory_space<hbm>>) dst(%arg8 : memref<158x64xi32, #tpu.memory_space<vmem>>)
      tpu.yield
    }) : () -> ()
    %barrier3A = arith.constant 0 : index
    tpu.barrier barrier_id(%barrier3A)
    %dma_start3A = arith.constant 0 : i32
    %dma_start3A_3 = arith.constant 0 : i32
    %dma_start3A_4 = tpu.memref_slice %arg7[%dma_start3A, %dma_start3A_3] : memref<158x64xi32, #tpu.memory_space<vmem>> -> memref<1x64xi32, #tpu.memory_space<vmem>>
    %dma_start3A_5 = tpu.memref_squeeze %dma_start3A_4 : memref<1x64xi32, #tpu.memory_space<vmem>> -> memref<64xi32, #tpu.memory_space<vmem>>
    %dma_start3A_6 = arith.constant 0 : i32
    %dma_start3A_7 = arith.constant 0 : i32
    %dma_start3A_8 = tpu.memref_slice %arg2[%dma_start3A_6, %dma_start3A_7] : memref<10000x48xf32, #tpu.memory_space<hbm>> -> memref<10000x48xf32, #tpu.memory_space<hbm>>
    tpu.enqueue_indirect_dma source(%dma_start3A_8 : memref<10000x48xf32, #tpu.memory_space<hbm>>) target(%arg9 : memref<64x48xf32, #tpu.memory_space<vmem>>) offsets(%dma_start3A_5 : memref<64xi32, #tpu.memory_space<vmem>>) semaphore(%arg12 : memref<!tpu.dma_semaphore, #tpu.memory_space<semaphore_mem>>)
    %scan3A = arith.constant 0 : i32
    %scan3A_9 = arith.constant 0 : i32
    %scan3A_10 = arith.constant 78 : i32
    %scan3A_11 = arith.addi %scan3A_9, %scan3A_10 : i32
    %scan3A_12 = arith.constant 1 : i32
    scf.for %scan3A_36 = %scan3A_9 to %scan3A_11 step %scan3A_12  : i32 {
      %mul3A_37 = arith.constant 2 : i32
      %mul3A_38 = arith.muli %mul3A_37, %scan3A_36 : i32
      %add3A_39 = arith.constant 1 : i32
      %add3A_40 = arith.addi %mul3A_38, %add3A_39 : i32
      %dma_start3A_41 = arith.constant 0 : i32
      %dma_start3A_42 = tpu.memref_slice %arg7[%add3A_40, %dma_start3A_41] : memref<158x64xi32, #tpu.memory_space<vmem>> -> memref<1x64xi32, #tpu.memory_space<vmem>>
      %dma_start3A_43 = tpu.memref_squeeze %dma_start3A_42 : memref<1x64xi32, #tpu.memory_space<vmem>> -> memref<64xi32, #tpu.memory_space<vmem>>
      %dma_start3A_44 = arith.constant 0 : i32
      %dma_start3A_45 = arith.constant 0 : i32
      %dma_start3A_46 = tpu.memref_slice %arg2[%dma_start3A_44, %dma_start3A_45] : memref<10000x48xf32, #tpu.memory_space<hbm>> -> memref<10000x48xf32, #tpu.memory_space<hbm>>
      tpu.enqueue_indirect_dma source(%dma_start3A_46 : memref<10000x48xf32, #tpu.memory_space<hbm>>) target(%arg10 : memref<64x48xf32, #tpu.memory_space<vmem>>) offsets(%dma_start3A_43 : memref<64xi32, #tpu.memory_space<vmem>>) semaphore(%arg13 : memref<!tpu.dma_semaphore, #tpu.memory_space<semaphore_mem>>)
      %dma_wait3A_47 = arith.constant 0 : i32
      %dma_wait3A_48 = tpu.memref_slice %arg7[%mul3A_38, %dma_wait3A_47] : memref<158x64xi32, #tpu.memory_space<vmem>> -> memref<1x64xi32, #tpu.memory_space<vmem>>
      %dma_wait3A_49 = tpu.memref_squeeze %dma_wait3A_48 : memref<1x64xi32, #tpu.memory_space<vmem>> -> memref<64xi32, #tpu.memory_space<vmem>>
      %dma_wait3A_50 = arith.constant 0 : i32
      %dma_wait3A_51 = arith.constant 0 : i32
      %dma_wait3A_52 = tpu.memref_slice %arg2[%dma_wait3A_50, %dma_wait3A_51] : memref<10000x48xf32, #tpu.memory_space<hbm>> -> memref<10000x48xf32, #tpu.memory_space<hbm>>
      tpu.wait_indirect_dma semaphore(%arg12 : memref<!tpu.dma_semaphore, #tpu.memory_space<semaphore_mem>>) src(%dma_wait3A_52 : memref<10000x48xf32, #tpu.memory_space<hbm>>) dst(%arg9 : memref<64x48xf32, #tpu.memory_space<vmem>>)
      "tpu.region"() ({
        %run_scoped3A_71 = tpu.sem_alloc : memref<!tpu.dma_semaphore, #tpu.memory_space<semaphore_mem>>
        %dma_start3A_72 = arith.constant 0 : i32
        %dma_start3A_73 = tpu.memref_slice %arg8[%mul3A_38, %dma_start3A_72] : memref<158x64xi32, #tpu.memory_space<vmem>> -> memref<1x64xi32, #tpu.memory_space<vmem>>
        %dma_start3A_74 = tpu.memref_squeeze %dma_start3A_73 : memref<1x64xi32, #tpu.memory_space<vmem>> -> memref<64xi32, #tpu.memory_space<vmem>>
        %dma_start3A_75 = arith.constant 0 : i32
        %dma_start3A_76 = arith.constant 0 : i32
        %dma_start3A_77 = tpu.memref_slice %arg11[%dma_start3A_75, %dma_start3A_76] : memref<10112x48xf32, #tpu.memory_space<vmem_shared>> -> memref<10112x48xf32, #tpu.memory_space<vmem_shared>>
        tpu.enqueue_indirect_dma source(%arg9 : memref<64x48xf32, #tpu.memory_space<vmem>>) target(%dma_start3A_77 : memref<10112x48xf32, #tpu.memory_space<vmem_shared>>) offsets(%dma_start3A_74 : memref<64xi32, #tpu.memory_space<vmem>>) semaphore(%run_scoped3A_71 : memref<!tpu.dma_semaphore, #tpu.memory_space<semaphore_mem>>) {add = true}
        %dma_wait3A_78 = arith.constant 0 : i32
        %dma_wait3A_79 = tpu.memref_slice %arg8[%mul3A_38, %dma_wait3A_78] : memref<158x64xi32, #tpu.memory_space<vmem>> -> memref<1x64xi32, #tpu.memory_space<vmem>>
        %dma_wait3A_80 = tpu.memref_squeeze %dma_wait3A_79 : memref<1x64xi32, #tpu.memory_space<vmem>> -> memref<64xi32, #tpu.memory_space<vmem>>
        %dma_wait3A_81 = arith.constant 0 : i32
        %dma_wait3A_82 = arith.constant 0 : i32
        %dma_wait3A_83 = tpu.memref_slice %arg11[%dma_wait3A_81, %dma_wait3A_82] : memref<10112x48xf32, #tpu.memory_space<vmem_shared>> -> memref<10112x48xf32, #tpu.memory_space<vmem_shared>>
        tpu.wait_indirect_dma semaphore(%run_scoped3A_71 : memref<!tpu.dma_semaphore, #tpu.memory_space<semaphore_mem>>) src(%arg9 : memref<64x48xf32, #tpu.memory_space<vmem>>) dst(%dma_wait3A_83 : memref<10112x48xf32, #tpu.memory_space<vmem_shared>>)
        tpu.yield
      }) : () -> ()
      %add3A_53 = arith.constant 2 : i32
      %add3A_54 = arith.addi %mul3A_38, %add3A_53 : i32
      %dma_start3A_55 = arith.constant 0 : i32
      %dma_start3A_56 = tpu.memref_slice %arg7[%add3A_54, %dma_start3A_55] : memref<158x64xi32, #tpu.memory_space<vmem>> -> memref<1x64xi32, #tpu.memory_space<vmem>>
      %dma_start3A_57 = tpu.memref_squeeze %dma_start3A_56 : memref<1x64xi32, #tpu.memory_space<vmem>> -> memref<64xi32, #tpu.memory_space<vmem>>
      %dma_start3A_58 = arith.constant 0 : i32
      %dma_start3A_59 = arith.constant 0 : i32
      %dma_start3A_60 = tpu.memref_slice %arg2[%dma_start3A_58, %dma_start3A_59] : memref<10000x48xf32, #tpu.memory_space<hbm>> -> memref<10000x48xf32, #tpu.memory_space<hbm>>
      tpu.enqueue_indirect_dma source(%dma_start3A_60 : memref<10000x48xf32, #tpu.memory_space<hbm>>) target(%arg9 : memref<64x48xf32, #tpu.memory_space<vmem>>) offsets(%dma_start3A_57 : memref<64xi32, #tpu.memory_space<vmem>>) semaphore(%arg12 : memref<!tpu.dma_semaphore, #tpu.memory_space<semaphore_mem>>)
      %add3A_61 = arith.constant 1 : i32
      %add3A_62 = arith.addi %mul3A_38, %add3A_61 : i32
      %dma_wait3A_63 = arith.constant 0 : i32
      %dma_wait3A_64 = tpu.memref_slice %arg7[%add3A_62, %dma_wait3A_63] : memref<158x64xi32, #tpu.memory_space<vmem>> -> memref<1x64xi32, #tpu.memory_space<vmem>>
      %dma_wait3A_65 = tpu.memref_squeeze %dma_wait3A_64 : memref<1x64xi32, #tpu.memory_space<vmem>> -> memref<64xi32, #tpu.memory_space<vmem>>
      %dma_wait3A_66 = arith.constant 0 : i32
      %dma_wait3A_67 = arith.constant 0 : i32
      %dma_wait3A_68 = tpu.memref_slice %arg2[%dma_wait3A_66, %dma_wait3A_67] : memref<10000x48xf32, #tpu.memory_space<hbm>> -> memref<10000x48xf32, #tpu.memory_space<hbm>>
      tpu.wait_indirect_dma semaphore(%arg13 : memref<!tpu.dma_semaphore, #tpu.memory_space<semaphore_mem>>) src(%dma_wait3A_68 : memref<10000x48xf32, #tpu.memory_space<hbm>>) dst(%arg10 : memref<64x48xf32, #tpu.memory_space<vmem>>)
      %add3A_69 = arith.constant 1 : i32
      %add3A_70 = arith.addi %mul3A_38, %add3A_69 : i32
      "tpu.region"() ({
        %run_scoped3A_71 = tpu.sem_alloc : memref<!tpu.dma_semaphore, #tpu.memory_space<semaphore_mem>>
        %dma_start3A_72 = arith.constant 0 : i32
        %dma_start3A_73 = tpu.memref_slice %arg8[%add3A_70, %dma_start3A_72] : memref<158x64xi32, #tpu.memory_space<vmem>> -> memref<1x64xi32, #tpu.memory_space<vmem>>
        %dma_start3A_74 = tpu.memref_squeeze %dma_start3A_73 : memref<1x64xi32, #tpu.memory_space<vmem>> -> memref<64xi32, #tpu.memory_space<vmem>>
        %dma_start3A_75 = arith.constant 0 : i32
        %dma_start3A_76 = arith.constant 0 : i32
        %dma_start3A_77 = tpu.memref_slice %arg11[%dma_start3A_75, %dma_start3A_76] : memref<10112x48xf32, #tpu.memory_space<vmem_shared>> -> memref<10112x48xf32, #tpu.memory_space<vmem_shared>>
        tpu.enqueue_indirect_dma source(%arg10 : memref<64x48xf32, #tpu.memory_space<vmem>>) target(%dma_start3A_77 : memref<10112x48xf32, #tpu.memory_space<vmem_shared>>) offsets(%dma_start3A_74 : memref<64xi32, #tpu.memory_space<vmem>>) semaphore(%run_scoped3A_71 : memref<!tpu.dma_semaphore, #tpu.memory_space<semaphore_mem>>) {add = true}
        %dma_wait3A_78 = arith.constant 0 : i32
        %dma_wait3A_79 = tpu.memref_slice %arg8[%add3A_70, %dma_wait3A_78] : memref<158x64xi32, #tpu.memory_space<vmem>> -> memref<1x64xi32, #tpu.memory_space<vmem>>
        %dma_wait3A_80 = tpu.memref_squeeze %dma_wait3A_79 : memref<1x64xi32, #tpu.memory_space<vmem>> -> memref<64xi32, #tpu.memory_space<vmem>>
        %dma_wait3A_81 = arith.constant 0 : i32
        %dma_wait3A_82 = arith.constant 0 : i32
        %dma_wait3A_83 = tpu.memref_slice %arg11[%dma_wait3A_81, %dma_wait3A_82] : memref<10112x48xf32, #tpu.memory_space<vmem_shared>> -> memref<10112x48xf32, #tpu.memory_space<vmem_shared>>
        tpu.wait_indirect_dma semaphore(%run_scoped3A_71 : memref<!tpu.dma_semaphore, #tpu.memory_space<semaphore_mem>>) src(%arg10 : memref<64x48xf32, #tpu.memory_space<vmem>>) dst(%dma_wait3A_83 : memref<10112x48xf32, #tpu.memory_space<vmem_shared>>)
        tpu.yield
      }) : () -> ()
    }
    %scan3A_13 = arith.constant 78 : i32
    %dma_start3A_14 = arith.constant 157 : i32
    %dma_start3A_15 = arith.constant 0 : i32
    %dma_start3A_16 = tpu.memref_slice %arg7[%dma_start3A_14, %dma_start3A_15] : memref<158x64xi32, #tpu.memory_space<vmem>> -> memref<1x64xi32, #tpu.memory_space<vmem>>
    %dma_start3A_17 = tpu.memref_squeeze %dma_start3A_16 : memref<1x64xi32, #tpu.memory_space<vmem>> -> memref<64xi32, #tpu.memory_space<vmem>>
    %dma_start3A_18 = arith.constant 0 : i32
    %dma_start3A_19 = arith.constant 0 : i32
    %dma_start3A_20 = tpu.memref_slice %arg2[%dma_start3A_18, %dma_start3A_19] : memref<10000x48xf32, #tpu.memory_space<hbm>> -> memref<10000x48xf32, #tpu.memory_space<hbm>>
    tpu.enqueue_indirect_dma source(%dma_start3A_20 : memref<10000x48xf32, #tpu.memory_space<hbm>>) target(%arg10 : memref<64x48xf32, #tpu.memory_space<vmem>>) offsets(%dma_start3A_17 : memref<64xi32, #tpu.memory_space<vmem>>) semaphore(%arg13 : memref<!tpu.dma_semaphore, #tpu.memory_space<semaphore_mem>>)
    %dma_wait3A = arith.constant 156 : i32
    %dma_wait3A_21 = arith.constant 0 : i32
    %dma_wait3A_22 = tpu.memref_slice %arg7[%dma_wait3A, %dma_wait3A_21] : memref<158x64xi32, #tpu.memory_space<vmem>> -> memref<1x64xi32, #tpu.memory_space<vmem>>
    %dma_wait3A_23 = tpu.memref_squeeze %dma_wait3A_22 : memref<1x64xi32, #tpu.memory_space<vmem>> -> memref<64xi32, #tpu.memory_space<vmem>>
    %dma_wait3A_24 = arith.constant 0 : i32
    %dma_wait3A_25 = arith.constant 0 : i32
    %dma_wait3A_26 = tpu.memref_slice %arg2[%dma_wait3A_24, %dma_wait3A_25] : memref<10000x48xf32, #tpu.memory_space<hbm>> -> memref<10000x48xf32, #tpu.memory_space<hbm>>
    tpu.wait_indirect_dma semaphore(%arg12 : memref<!tpu.dma_semaphore, #tpu.memory_space<semaphore_mem>>) src(%dma_wait3A_26 : memref<10000x48xf32, #tpu.memory_space<hbm>>) dst(%arg9 : memref<64x48xf32, #tpu.memory_space<vmem>>)
    %run_scoped3A = arith.constant 156 : i32
    "tpu.region"() ({
      %run_scoped3A_36 = tpu.sem_alloc : memref<!tpu.dma_semaphore, #tpu.memory_space<semaphore_mem>>
      %dma_start3A_37 = arith.constant 0 : i32
      %dma_start3A_38 = tpu.memref_slice %arg8[%run_scoped3A, %dma_start3A_37] : memref<158x64xi32, #tpu.memory_space<vmem>> -> memref<1x64xi32, #tpu.memory_space<vmem>>
      %dma_start3A_39 = tpu.memref_squeeze %dma_start3A_38 : memref<1x64xi32, #tpu.memory_space<vmem>> -> memref<64xi32, #tpu.memory_space<vmem>>
      %dma_start3A_40 = arith.constant 0 : i32
      %dma_start3A_41 = arith.constant 0 : i32
      %dma_start3A_42 = tpu.memref_slice %arg11[%dma_start3A_40, %dma_start3A_41] : memref<10112x48xf32, #tpu.memory_space<vmem_shared>> -> memref<10112x48xf32, #tpu.memory_space<vmem_shared>>
      tpu.enqueue_indirect_dma source(%arg9 : memref<64x48xf32, #tpu.memory_space<vmem>>) target(%dma_start3A_42 : memref<10112x48xf32, #tpu.memory_space<vmem_shared>>) offsets(%dma_start3A_39 : memref<64xi32, #tpu.memory_space<vmem>>) semaphore(%run_scoped3A_36 : memref<!tpu.dma_semaphore, #tpu.memory_space<semaphore_mem>>) {add = true}
      %dma_wait3A_43 = arith.constant 0 : i32
      %dma_wait3A_44 = tpu.memref_slice %arg8[%run_scoped3A, %dma_wait3A_43] : memref<158x64xi32, #tpu.memory_space<vmem>> -> memref<1x64xi32, #tpu.memory_space<vmem>>
      %dma_wait3A_45 = tpu.memref_squeeze %dma_wait3A_44 : memref<1x64xi32, #tpu.memory_space<vmem>> -> memref<64xi32, #tpu.memory_space<vmem>>
      %dma_wait3A_46 = arith.constant 0 : i32
      %dma_wait3A_47 = arith.constant 0 : i32
      %dma_wait3A_48 = tpu.memref_slice %arg11[%dma_wait3A_46, %dma_wait3A_47] : memref<10112x48xf32, #tpu.memory_space<vmem_shared>> -> memref<10112x48xf32, #tpu.memory_space<vmem_shared>>
      tpu.wait_indirect_dma semaphore(%run_scoped3A_36 : memref<!tpu.dma_semaphore, #tpu.memory_space<semaphore_mem>>) src(%arg9 : memref<64x48xf32, #tpu.memory_space<vmem>>) dst(%dma_wait3A_48 : memref<10112x48xf32, #tpu.memory_space<vmem_shared>>)
      tpu.yield
    }) : () -> ()
    %dma_wait3A_27 = arith.constant 157 : i32
    %dma_wait3A_28 = arith.constant 0 : i32
    %dma_wait3A_29 = tpu.memref_slice %arg7[%dma_wait3A_27, %dma_wait3A_28] : memref<158x64xi32, #tpu.memory_space<vmem>> -> memref<1x64xi32, #tpu.memory_space<vmem>>
    %dma_wait3A_30 = tpu.memref_squeeze %dma_wait3A_29 : memref<1x64xi32, #tpu.memory_space<vmem>> -> memref<64xi32, #tpu.memory_space<vmem>>
    %dma_wait3A_31 = arith.constant 0 : i32
    %dma_wait3A_32 = arith.constant 0 : i32
    %dma_wait3A_33 = tpu.memref_slice %arg2[%dma_wait3A_31, %dma_wait3A_32] : memref<10000x48xf32, #tpu.memory_space<hbm>> -> memref<10000x48xf32, #tpu.memory_space<hbm>>
    tpu.wait_indirect_dma semaphore(%arg13 : memref<!tpu.dma_semaphore, #tpu.memory_space<semaphore_mem>>) src(%dma_wait3A_33 : memref<10000x48xf32, #tpu.memory_space<hbm>>) dst(%arg10 : memref<64x48xf32, #tpu.memory_space<vmem>>)
    %run_scoped3A_34 = arith.constant 157 : i32
    "tpu.region"() ({
      %run_scoped3A_36 = tpu.sem_alloc : memref<!tpu.dma_semaphore, #tpu.memory_space<semaphore_mem>>
      %dma_start3A_37 = arith.constant 0 : i32
      %dma_start3A_38 = tpu.memref_slice %arg8[%run_scoped3A_34, %dma_start3A_37] : memref<158x64xi32, #tpu.memory_space<vmem>> -> memref<1x64xi32, #tpu.memory_space<vmem>>
      %dma_start3A_39 = tpu.memref_squeeze %dma_start3A_38 : memref<1x64xi32, #tpu.memory_space<vmem>> -> memref<64xi32, #tpu.memory_space<vmem>>
      %dma_start3A_40 = arith.constant 0 : i32
      %dma_start3A_41 = arith.constant 0 : i32
      %dma_start3A_42 = tpu.memref_slice %arg11[%dma_start3A_40, %dma_start3A_41] : memref<10112x48xf32, #tpu.memory_space<vmem_shared>> -> memref<10112x48xf32, #tpu.memory_space<vmem_shared>>
      tpu.enqueue_indirect_dma source(%arg10 : memref<64x48xf32, #tpu.memory_space<vmem>>) target(%dma_start3A_42 : memref<10112x48xf32, #tpu.memory_space<vmem_shared>>) offsets(%dma_start3A_39 : memref<64xi32, #tpu.memory_space<vmem>>) semaphore(%run_scoped3A_36 : memref<!tpu.dma_semaphore, #tpu.memory_space<semaphore_mem>>) {add = true}
      %dma_wait3A_43 = arith.constant 0 : i32
      %dma_wait3A_44 = tpu.memref_slice %arg8[%run_scoped3A_34, %dma_wait3A_43] : memref<158x64xi32, #tpu.memory_space<vmem>> -> memref<1x64xi32, #tpu.memory_space<vmem>>
      %dma_wait3A_45 = tpu.memref_squeeze %dma_wait3A_44 : memref<1x64xi32, #tpu.memory_space<vmem>> -> memref<64xi32, #tpu.memory_space<vmem>>
      %dma_wait3A_46 = arith.constant 0 : i32
      %dma_wait3A_47 = arith.constant 0 : i32
      %dma_wait3A_48 = tpu.memref_slice %arg11[%dma_wait3A_46, %dma_wait3A_47] : memref<10112x48xf32, #tpu.memory_space<vmem_shared>> -> memref<10112x48xf32, #tpu.memory_space<vmem_shared>>
      tpu.wait_indirect_dma semaphore(%run_scoped3A_36 : memref<!tpu.dma_semaphore, #tpu.memory_space<semaphore_mem>>) src(%arg10 : memref<64x48xf32, #tpu.memory_space<vmem>>) dst(%dma_wait3A_48 : memref<10112x48xf32, #tpu.memory_space<vmem_shared>>)
      tpu.yield
    }) : () -> ()
    %barrier3A_35 = arith.constant 0 : index
    tpu.barrier barrier_id(%barrier3A_35)
    "tpu.region"() ({
      %run_scoped3A_36 = tpu.sem_alloc : memref<!tpu.dma_semaphore, #tpu.memory_space<semaphore_mem>>
      %dma_start3A_37 = arith.constant 0 : i32
      %dma_start3A_38 = tpu.memref_slice %arg6[%arg0, %mul3A_2, %dma_start3A_37] : memref<2x10112x48xf32, #tpu.memory_space<hbm>> -> memref<1x632x48xf32, #tpu.memory_space<hbm>>
      %dma_start3A_39 = tpu.memref_squeeze %dma_start3A_38 : memref<1x632x48xf32, #tpu.memory_space<hbm>> -> memref<632x48xf32, #tpu.memory_space<hbm>>
      %dma_start3A_40 = arith.constant 0 : i32
      %dma_start3A_41 = tpu.memref_slice %arg11[%mul3A_2, %dma_start3A_40] : memref<10112x48xf32, #tpu.memory_space<vmem_shared>> -> memref<632x48xf32, #tpu.memory_space<vmem_shared>>
      tpu.enqueue_dma source(%dma_start3A_41 : memref<632x48xf32, #tpu.memory_space<vmem_shared>>) target(%dma_start3A_39 : memref<632x48xf32, #tpu.memory_space<hbm>>) target_semaphore(%run_scoped3A_36 : memref<!tpu.dma_semaphore, #tpu.memory_space<semaphore_mem>>)
      %dma_wait3A_42 = arith.constant 0 : i32
      %dma_wait3A_43 = tpu.memref_slice %arg6[%arg0, %mul3A_2, %dma_wait3A_42] : memref<2x10112x48xf32, #tpu.memory_space<hbm>> -> memref<1x632x48xf32, #tpu.memory_space<hbm>>
      %dma_wait3A_44 = tpu.memref_squeeze %dma_wait3A_43 : memref<1x632x48xf32, #tpu.memory_space<hbm>> -> memref<632x48xf32, #tpu.memory_space<hbm>>
      %dma_wait3A_45 = arith.constant 0 : i32
      %dma_wait3A_46 = tpu.memref_slice %arg11[%mul3A_2, %dma_wait3A_45] : memref<10112x48xf32, #tpu.memory_space<vmem_shared>> -> memref<632x48xf32, #tpu.memory_space<vmem_shared>>
      tpu.wait_dma2 semaphore(%run_scoped3A_36 : memref<!tpu.dma_semaphore, #tpu.memory_space<semaphore_mem>>) src(%dma_wait3A_46 : memref<632x48xf32, #tpu.memory_space<vmem_shared>>) dst(%dma_wait3A_44 : memref<632x48xf32, #tpu.memory_space<hbm>>)
      tpu.yield
    }) : () -> ()
    return
  }
}

module attributes {stable_mosaic.version = 14 : i64} {
  func.func @_k1(%arg0: i32, %arg1: memref<1000x128xf32, #tpu.memory_space<vmem>>, %arg2: memref<128x256xf32, #tpu.memory_space<vmem>>, %arg3: memref<1000x128xf32, #tpu.memory_space<vmem>>, %arg4: memref<1000x144xf32, #tpu.memory_space<vmem>>) attributes {dimension_semantics = [#tpu.dimension_semantics<arbitrary>], iteration_bounds = array<i64: 10>, scalar_prefetch = 0 : i64, scratch_operands = 0 : i64, tpu.core_type = #tpu.core_type<tc>, window_params = [{transform_indices = @transform_0, window_bounds = array<i64: 1000, 128>}, {pipeline_mode = #tpu.pipeline_mode<synchronous>, transform_indices = @transform_1, window_bounds = array<i64: 128, 256>}, {transform_indices = @transform_2, window_bounds = array<i64: 1000, 128>}, {transform_indices = @transform_3, window_bounds = array<i64: 1000, 144>}]} {
    %get3A = arith.constant 0 : index
    %get3A_0 = arith.constant 0 : index
    %get3A_1 = vector.load %arg1[%get3A, %get3A_0] : memref<1000x128xf32, #tpu.memory_space<vmem>>, vector<1000x128xf32>
    %get3A_2 = arith.constant 0 : index
    %get3A_3 = arith.constant 0 : index
    %get3A_4 = vector.load %arg2[%get3A_2, %get3A_3] : memref<128x256xf32, #tpu.memory_space<vmem>>, vector<128x256xf32>
    %dot_general3A = arith.constant dense<0.000000e+00> : vector<1000x256xf32>
    %dot_general3A_5 = tpu.matmul %get3A_1, %get3A_4, %dot_general3A {dimension_numbers = #tpu.dot_dimension_numbers<[1], [0], [0], [1], [0, 0, 1, 1], [], []>, transpose_lhs_hint = false} : vector<1000x128xf32>, vector<128x256xf32>, vector<1000x256xf32> -> vector<1000x256xf32>
    %slice3A = vector.extract_strided_slice %dot_general3A_5 {offsets = [0, 0], sizes = [1000, 128], strides = [1, 1]} : vector<1000x256xf32> to vector<1000x128xf32>
    %swap3A = arith.constant 0 : index
    %swap3A_6 = arith.constant 0 : index
    %swap3A_7 = vector.load %arg3[%swap3A, %swap3A_6] : memref<1000x128xf32, #tpu.memory_space<vmem>>, vector<1000x128xf32>
    tpu.vector_store %arg3[%swap3A, %swap3A_6], %slice3A {strides = array<i32>} : memref<1000x128xf32, #tpu.memory_space<vmem>>, vector<1000x128xf32>,
    %slice3A_8 = vector.extract_strided_slice %dot_general3A_5 {offsets = [0, 128], sizes = [1000, 128], strides = [1, 1]} : vector<1000x256xf32> to vector<1000x128xf32>
    %swap3A_9 = arith.constant 0 : index
    %swap3A_10 = arith.constant 0 : index
    %swap3A_11 = vector.load %arg4[%swap3A_9, %swap3A_10] : memref<1000x144xf32, #tpu.memory_space<vmem>>, vector<1000x128xf32>
    tpu.vector_store %arg4[%swap3A_9, %swap3A_10], %slice3A_8 {strides = array<i32>} : memref<1000x144xf32, #tpu.memory_space<vmem>>, vector<1000x128xf32>,
    %iota3A = tpu.iota {dimensions = array<i32: 1>} : vector<1000x16xi32>
    %eq3A = arith.constant 0 : i32
    %eq3A_12 = vector.broadcast %eq3A : i32 to vector<1000x16xi32>
    %eq3A_13 = arith.cmpi eq, %iota3A, %eq3A_12 : vector<1000x16xi32>
    %jit3A = arith.constant 1.000000e+00 : f32
    %jit3A_14 = arith.constant 0.000000e+00 : f32
    %broadcast_in_dim3A = vector.broadcast %jit3A : f32 to vector<1000x16xf32>
    %broadcast_in_dim3A_15 = vector.broadcast %jit3A_14 : f32 to vector<1000x16xf32>
    %select_n3A = arith.select %eq3A_13, %broadcast_in_dim3A, %broadcast_in_dim3A_15 : vector<1000x16xi1>, vector<1000x16xf32>
    %swap3A_16 = arith.constant 0 : index
    %swap3A_17 = arith.constant 128 : index
    %swap3A_18 = vector.load %arg4[%swap3A_16, %swap3A_17] : memref<1000x144xf32, #tpu.memory_space<vmem>>, vector<1000x16xf32>
    tpu.vector_store %arg4[%swap3A_16, %swap3A_17], %select_n3A {strides = array<i32>} : memref<1000x144xf32, #tpu.memory_space<vmem>>, vector<1000x16xf32>,
    return
  }
  func.func @transform_0(%arg0: i32) -> (i32, i32) {
    %c0_i32 = arith.constant 0 : i32
    %c0_i32_0 = arith.constant 0 : i32
    return %arg0, %c0_i32 : i32, i32
  }
  func.func @transform_1(%arg0: i32) -> (i32, i32) {
    %c0_i32 = arith.constant 0 : i32
    %c0_i32_0 = arith.constant 0 : i32
    %c0_i32_1 = arith.constant 0 : i32
    return %c0_i32, %c0_i32_0 : i32, i32
  }
  func.func @transform_2(%arg0: i32) -> (i32, i32) {
    %c0_i32 = arith.constant 0 : i32
    %c0_i32_0 = arith.constant 0 : i32
    return %arg0, %c0_i32 : i32, i32
  }
  func.func @transform_3(%arg0: i32) -> (i32, i32) {
    %c0_i32 = arith.constant 0 : i32
    %c0_i32_0 = arith.constant 0 : i32
    return %arg0, %c0_i32 : i32, i32
  }
}

module attributes {stable_mosaic.version = 14 : i64} {
  func.func @_k2(%arg0: i32, %arg1: memref<1000x128xf32, #tpu.memory_space<vmem>>, %arg2: memref<2x1000x144xf32, #tpu.memory_space<vmem>>, %arg3: memref<8x128xf32, #tpu.memory_space<vmem>>, %arg4: memref<128x40xf32, #tpu.memory_space<vmem>>, %arg5: memref<128x48xf32, #tpu.memory_space<vmem>>, %arg6: memref<8x40xf32, #tpu.memory_space<vmem>>, %arg7: memref<1000x40xf32, #tpu.memory_space<vmem>>, %arg8: memref<1000x48xf32, #tpu.memory_space<vmem>>, %arg9: memref<1000x8xf32, #tpu.memory_space<vmem>>) attributes {dimension_semantics = [#tpu.dimension_semantics<arbitrary>], iteration_bounds = array<i64: 10>, scalar_prefetch = 0 : i64, scratch_operands = 0 : i64, tpu.core_type = #tpu.core_type<tc>, window_params = [{transform_indices = @transform_0, window_bounds = array<i64: 1000, 128>}, {transform_indices = @transform_1, window_bounds = array<i64: 2, 1000, 144>}, {pipeline_mode = #tpu.pipeline_mode<synchronous>, transform_indices = @transform_2, window_bounds = array<i64: 8, 128>}, {pipeline_mode = #tpu.pipeline_mode<synchronous>, transform_indices = @transform_3, window_bounds = array<i64: 128, 40>}, {pipeline_mode = #tpu.pipeline_mode<synchronous>, transform_indices = @transform_4, window_bounds = array<i64: 128, 48>}, {pipeline_mode = #tpu.pipeline_mode<synchronous>, transform_indices = @transform_5, window_bounds = array<i64: 8, 40>}, {transform_indices = @transform_6, window_bounds = array<i64: 1000, 40>}, {transform_indices = @transform_7, window_bounds = array<i64: 1000, 48>}, {transform_indices = @transform_8, window_bounds = array<i64: 1000, 8>}]} {
    %get3A = arith.constant 0 : index
    %get3A_0 = arith.constant 0 : index
    %get3A_1 = arith.constant 0 : index
    %get3A_2 = vector.load %arg2[%get3A, %get3A_0, %get3A_1] : memref<2x1000x144xf32, #tpu.memory_space<vmem>>, vector<1x1000x144xf32>
    %get3A_3 = vector.shape_cast %get3A_2 : vector<1x1000x144xf32> to vector<1000x144xf32>
    %get3A_4 = arith.constant 1 : index
    %get3A_5 = arith.constant 0 : index
    %get3A_6 = arith.constant 0 : index
    %get3A_7 = vector.load %arg2[%get3A_4, %get3A_5, %get3A_6] : memref<2x1000x144xf32, #tpu.memory_space<vmem>>, vector<1x1000x144xf32>
    %get3A_8 = vector.shape_cast %get3A_7 : vector<1x1000x144xf32> to vector<1000x144xf32>
    %add3A = arith.addf %get3A_3, %get3A_8 : vector<1000x144xf32>
    %slice3A = vector.extract_strided_slice %add3A {offsets = [0, 128], sizes = [1000, 1], strides = [1, 1]} : vector<1000x144xf32> to vector<1000x1xf32>
    %max3A = arith.constant 1.000000e+00 : f32
    %max3A_9 = vector.broadcast %max3A : f32 to vector<1000x1xf32>
    %max3A_10 = arith.maximumf %slice3A, %max3A_9 : vector<1000x1xf32>
    %div3A = arith.constant 1.000000e+00 : f32
    %div3A_11 = vector.broadcast %div3A : f32 to vector<1000x1xf32>
    %div3A_12 = arith.divf %div3A_11, %max3A_10 : vector<1000x1xf32>
    %get3A_13 = arith.constant 0 : index
    %get3A_14 = arith.constant 0 : index
    %get3A_15 = vector.load %arg1[%get3A_13, %get3A_14] : memref<1000x128xf32, #tpu.memory_space<vmem>>, vector<1000x128xf32>
    %slice3A_16 = vector.extract_strided_slice %add3A {offsets = [0, 0], sizes = [1000, 128], strides = [1, 1]} : vector<1000x144xf32> to vector<1000x128xf32>
    %mul3A = vector.broadcast %div3A_12 : vector<1000x1xf32> to vector<1000x128xf32>
    %mul3A_17 = arith.mulf %slice3A_16, %mul3A : vector<1000x128xf32>
    %add3A_18 = arith.addf %get3A_15, %mul3A_17 : vector<1000x128xf32>
    %get3A_19 = arith.constant 0 : index
    %get3A_20 = arith.constant 0 : index
    %get3A_21 = vector.load %arg3[%get3A_19, %get3A_20] : memref<8x128xf32, #tpu.memory_space<vmem>>, vector<1x128xf32>
    %add3A_22 = vector.broadcast %get3A_21 : vector<1x128xf32> to vector<1000x128xf32>
    %add3A_23 = arith.addf %add3A_18, %add3A_22 : vector<1000x128xf32>
    %max3A_24 = arith.constant 0.000000e+00 : f32
    %max3A_25 = vector.broadcast %max3A_24 : f32 to vector<1000x128xf32>
    %max3A_26 = arith.maximumf %add3A_23, %max3A_25 : vector<1000x128xf32>
    %get3A_27 = arith.constant 0 : index
    %get3A_28 = arith.constant 0 : index
    %get3A_29 = vector.load %arg4[%get3A_27, %get3A_28] : memref<128x40xf32, #tpu.memory_space<vmem>>, vector<128x40xf32>
    %dot_general3A = arith.constant dense<0.000000e+00> : vector<1000x40xf32>
    %dot_general3A_30 = tpu.matmul %max3A_26, %get3A_29, %dot_general3A {dimension_numbers = #tpu.dot_dimension_numbers<[1], [0], [0], [1], [0, 0, 1, 1], [], []>, transpose_lhs_hint = false} : vector<1000x128xf32>, vector<128x40xf32>, vector<1000x40xf32> -> vector<1000x40xf32>
    %get3A_31 = arith.constant 0 : index
    %get3A_32 = arith.constant 0 : index
    %get3A_33 = vector.load %arg6[%get3A_31, %get3A_32] : memref<8x40xf32, #tpu.memory_space<vmem>>, vector<1x40xf32>
    %add3A_34 = vector.broadcast %get3A_33 : vector<1x40xf32> to vector<1000x40xf32>
    %add3A_35 = arith.addf %dot_general3A_30, %add3A_34 : vector<1000x40xf32>
    %swap3A = arith.constant 0 : index
    %swap3A_36 = arith.constant 0 : index
    %swap3A_37 = vector.load %arg7[%swap3A, %swap3A_36] : memref<1000x40xf32, #tpu.memory_space<vmem>>, vector<1000x40xf32>
    tpu.vector_store %arg7[%swap3A, %swap3A_36], %add3A_35 {strides = array<i32>} : memref<1000x40xf32, #tpu.memory_space<vmem>>, vector<1000x40xf32>,
    %get3A_38 = arith.constant 0 : index
    %get3A_39 = arith.constant 0 : index
    %get3A_40 = vector.load %arg5[%get3A_38, %get3A_39] : memref<128x48xf32, #tpu.memory_space<vmem>>, vector<128x48xf32>
    %dot_general3A_41 = arith.constant dense<0.000000e+00> : vector<1000x48xf32>
    %dot_general3A_42 = tpu.matmul %max3A_26, %get3A_40, %dot_general3A_41 {dimension_numbers = #tpu.dot_dimension_numbers<[1], [0], [0], [1], [0, 0, 1, 1], [], []>, transpose_lhs_hint = false} : vector<1000x128xf32>, vector<128x48xf32>, vector<1000x48xf32> -> vector<1000x48xf32>
    %swap3A_43 = arith.constant 0 : index
    %swap3A_44 = arith.constant 0 : index
    %swap3A_45 = vector.load %arg8[%swap3A_43, %swap3A_44] : memref<1000x48xf32, #tpu.memory_space<vmem>>, vector<1000x48xf32>
    tpu.vector_store %arg8[%swap3A_43, %swap3A_44], %dot_general3A_42 {strides = array<i32>} : memref<1000x48xf32, #tpu.memory_space<vmem>>, vector<1000x48xf32>,
    %broadcast_in_dim3A = vector.shape_cast %div3A_12 : vector<1000x1xf32> to vector<1000x1xf32>
    %broadcast_in_dim3A_46 = vector.broadcast %broadcast_in_dim3A : vector<1000x1xf32> to vector<1000x8xf32>
    %swap3A_47 = arith.constant 0 : index
    %swap3A_48 = arith.constant 0 : index
    %swap3A_49 = vector.load %arg9[%swap3A_47, %swap3A_48] : memref<1000x8xf32, #tpu.memory_space<vmem>>, vector<1000x8xf32>
    tpu.vector_store %arg9[%swap3A_47, %swap3A_48], %broadcast_in_dim3A_46 {strides = array<i32>} : memref<1000x8xf32, #tpu.memory_space<vmem>>, vector<1000x8xf32>,
    return
  }
  func.func @transform_0(%arg0: i32) -> (i32, i32) {
    %c0_i32 = arith.constant 0 : i32
    %c0_i32_0 = arith.constant 0 : i32
    return %arg0, %c0_i32 : i32, i32
  }
  func.func @transform_1(%arg0: i32) -> (i32, i32, i32) {
    %c0_i32 = arith.constant 0 : i32
    %c0_i32_0 = arith.constant 0 : i32
    %c0_i32_1 = arith.constant 0 : i32
    return %c0_i32, %arg0, %c0_i32_0 : i32, i32, i32
  }
  func.func @transform_2(%arg0: i32) -> (i32, i32) {
    %c0_i32 = arith.constant 0 : i32
    %c0_i32_0 = arith.constant 0 : i32
    %c0_i32_1 = arith.constant 0 : i32
    return %c0_i32, %c0_i32_0 : i32, i32
  }
  func.func @transform_3(%arg0: i32) -> (i32, i32) {
    %c0_i32 = arith.constant 0 : i32
    %c0_i32_0 = arith.constant 0 : i32
    %c0_i32_1 = arith.constant 0 : i32
    return %c0_i32, %c0_i32_0 : i32, i32
  }
  func.func @transform_4(%arg0: i32) -> (i32, i32) {
    %c0_i32 = arith.constant 0 : i32
    %c0_i32_0 = arith.constant 0 : i32
    %c0_i32_1 = arith.constant 0 : i32
    return %c0_i32, %c0_i32_0 : i32, i32
  }
  func.func @transform_5(%arg0: i32) -> (i32, i32) {
    %c0_i32 = arith.constant 0 : i32
    %c0_i32_0 = arith.constant 0 : i32
    %c0_i32_1 = arith.constant 0 : i32
    return %c0_i32, %c0_i32_0 : i32, i32
  }
  func.func @transform_6(%arg0: i32) -> (i32, i32) {
    %c0_i32 = arith.constant 0 : i32
    %c0_i32_0 = arith.constant 0 : i32
    return %arg0, %c0_i32 : i32, i32
  }
  func.func @transform_7(%arg0: i32) -> (i32, i32) {
    %c0_i32 = arith.constant 0 : i32
    %c0_i32_0 = arith.constant 0 : i32
    return %arg0, %c0_i32 : i32, i32
  }
  func.func @transform_8(%arg0: i32) -> (i32, i32) {
    %c0_i32 = arith.constant 0 : i32
    %c0_i32_0 = arith.constant 0 : i32
    return %arg0, %c0_i32 : i32, i32
  }
}

module attributes {stable_mosaic.version = 14 : i64} {
  func.func @_k3(%arg0: i32, %arg1: memref<1000x40xf32, #tpu.memory_space<vmem>>, %arg2: memref<2x1000x48xf32, #tpu.memory_space<vmem>>, %arg3: memref<1000x8xf32, #tpu.memory_space<vmem>>, %arg4: memref<1000x40xf32, #tpu.memory_space<vmem>>) attributes {dimension_semantics = [#tpu.dimension_semantics<arbitrary>], iteration_bounds = array<i64: 10>, scalar_prefetch = 0 : i64, scratch_operands = 0 : i64, tpu.core_type = #tpu.core_type<tc>, window_params = [{transform_indices = @transform_0, window_bounds = array<i64: 1000, 40>}, {transform_indices = @transform_1, window_bounds = array<i64: 2, 1000, 48>}, {transform_indices = @transform_2, window_bounds = array<i64: 1000, 8>}, {transform_indices = @transform_3, window_bounds = array<i64: 1000, 40>}]} {
    %get3A = arith.constant 0 : index
    %get3A_0 = arith.constant 0 : index
    %get3A_1 = arith.constant 0 : index
    %get3A_2 = vector.load %arg2[%get3A, %get3A_0, %get3A_1] : memref<2x1000x48xf32, #tpu.memory_space<vmem>>, vector<1x1000x48xf32>
    %get3A_3 = vector.shape_cast %get3A_2 : vector<1x1000x48xf32> to vector<1000x48xf32>
    %get3A_4 = arith.constant 1 : index
    %get3A_5 = arith.constant 0 : index
    %get3A_6 = arith.constant 0 : index
    %get3A_7 = vector.load %arg2[%get3A_4, %get3A_5, %get3A_6] : memref<2x1000x48xf32, #tpu.memory_space<vmem>>, vector<1x1000x48xf32>
    %get3A_8 = vector.shape_cast %get3A_7 : vector<1x1000x48xf32> to vector<1000x48xf32>
    %add3A = arith.addf %get3A_3, %get3A_8 : vector<1000x48xf32>
    %slice3A = vector.extract_strided_slice %add3A {offsets = [0, 0], sizes = [1000, 40], strides = [1, 1]} : vector<1000x48xf32> to vector<1000x40xf32>
    %get3A_9 = arith.constant 0 : index
    %get3A_10 = arith.constant 0 : index
    %get3A_11 = vector.load %arg3[%get3A_9, %get3A_10] : memref<1000x8xf32, #tpu.memory_space<vmem>>, vector<1000x1xf32>
    %mul3A = vector.broadcast %get3A_11 : vector<1000x1xf32> to vector<1000x40xf32>
    %mul3A_12 = arith.mulf %slice3A, %mul3A : vector<1000x40xf32>
    %get3A_13 = arith.constant 0 : index
    %get3A_14 = arith.constant 0 : index
    %get3A_15 = vector.load %arg1[%get3A_13, %get3A_14] : memref<1000x40xf32, #tpu.memory_space<vmem>>, vector<1000x40xf32>
    %add3A_16 = arith.addf %get3A_15, %mul3A_12 : vector<1000x40xf32>
    %swap3A = arith.constant 0 : index
    %swap3A_17 = arith.constant 0 : index
    %swap3A_18 = vector.load %arg4[%swap3A, %swap3A_17] : memref<1000x40xf32, #tpu.memory_space<vmem>>, vector<1000x40xf32>
    tpu.vector_store %arg4[%swap3A, %swap3A_17], %add3A_16 {strides = array<i32>} : memref<1000x40xf32, #tpu.memory_space<vmem>>, vector<1000x40xf32>,
    return
  }
  func.func @transform_0(%arg0: i32) -> (i32, i32) {
    %c0_i32 = arith.constant 0 : i32
    %c0_i32_0 = arith.constant 0 : i32
    return %arg0, %c0_i32 : i32, i32
  }
  func.func @transform_1(%arg0: i32) -> (i32, i32, i32) {
    %c0_i32 = arith.constant 0 : i32
    %c0_i32_0 = arith.constant 0 : i32
    %c0_i32_1 = arith.constant 0 : i32
    return %c0_i32, %arg0, %c0_i32_0 : i32, i32, i32
  }
  func.func @transform_2(%arg0: i32) -> (i32, i32) {
    %c0_i32 = arith.constant 0 : i32
    %c0_i32_0 = arith.constant 0 : i32
    return %arg0, %c0_i32 : i32, i32
  }
  func.func @transform_3(%arg0: i32) -> (i32, i32) {
    %c0_i32 = arith.constant 0 : i32
    %c0_i32_0 = arith.constant 0 : i32
    return %arg0, %c0_i32 : i32, i32
  }
}

</mosaic_0001>

<sc_bundles>
// kernel: kernel.10.cloned.1.call-start
scs
__scs_entry_jumppad:
0x0: {  	(pc) =	sbr.rel $0x88, $3  }
0x1: {  	(tag) =	ssettag $0x0;
	lr =	simm.s32 $0x1  }
0x2: {  	[smem:$0x3F99] =	sst lr;
	_ =	strace $0xD0000000  }
0x3: {  	_ = 	snop  }
0x4: {  	_ = 	snop  }
0x5: {  	_ = 	snop  }
0x6: {  	_ = 	snop  }
0x7: {  	_ = 	snop  }
__scs_overlays_trampoline_lowered:
0x8: {  	[smem:$0x3FA8] =	sst s0  }
0x9: {  	[smem:$0x3FA9] =	sst s1  }
0xa: {  	[smem:$0x3FAA] =	sst s2  }
0xb: {  	[smem:$0x3FAB] =	sst s3  }
0xc: {  	[smem:$0x3FAC] =	sst s4  }
0xd: {  	[smem:$0x3FAD] =	sst s5  }
0xe: {  	[smem:$0x3FAE] =	sst s6  }
0xf: {  	[smem:$0x3FAF] =	sst s7  }
0x10: {  	[smem:$0x3FB0] =	sst s8  }
0x11: {  	[smem:$0x3FB1] =	sst s9;
	s0 =	simm.s32 @!p0 $0x0  }
0x12: {  	s1 =	sld [smem:$0x3F97];
	s0 =	simm.s32 @p0 $0x1  }
0x13: {  	[smem:$0x3FB2] =	sst s0;
	s0 =	simm.s32 @!p1 $0x0  }
0x14: {  	s2 =	sld [smem:$0x3F96];
	s0 =	simm.s32 @p1 $0x1  }
0x15: {  	[smem:$0x3FB3] =	sst s0;
	s0 =	simm.s32 @!p2 $0x0  }
0x16: {  	s3 =	sld [smem:$0x3FDB];
	s0 =	simm.s32 @p2 $0x1  }
0x17: {  	s4 =	simm.s32 $0x1BF5;
	[smem:$0x3FB5] =	sst s0  }
0x18: {  	s0 =	sld [smem:$0x3F98];
	_ =	swait.ge [sflag:s4], $0x0  }
0x19: {  	s7 =	sld [smem:$0x3F99]  }
0x1a: {  	s8 =	sadd.s32 $0xFFFFE003, lr  }
0x1b: {  	s9 =	sadd.s32 $0xFFFFFEF7, lr;
	s5 =	simm.s32 $0xFFFFFFFF;
	p2 =	slt.u32 s8, $0xFFFFF086  }
0x1c: {  	p1 =	slt.u32 s9, $0xF7A;
	s5 =	simm.s32 @!p2 $0x0  }
0x1d: {  	s5 =	simm.s32 @p1 $0x1;
	p0 =	seq.s32 s7, s2  }
0x1e: {  	s7 =	smul.u32 @!p0 $0xF7A, s2;
	p2 =	seq.s32 @!p0 s5, $0x0  }
0x1f: {  	s9 =	smul.u32 $0xF7A, s1;
	s8 =	simm.s32 @!p0 $0x1BF5;
	p2 =	por !p2, p0  }
0x20: {  	[sflag:s8] =	ssyncset.s32 @!p0 $0xFFFFF086;
	s6 =	sadd.s32 @!p0 s3, s7;
	s7 =	simm.s32 @!p0 $0x108  }
0x21: {  	s3 =	sadd.s32 s3, s9;
	s6 =	sadd.s32 @!p0 $0x88, s6;
	s7 =	simm.s32 @p2 $0x1082  }
0x22: {  	[simem:s7], [sflag:s8] =	dma.local @!p0 [hbm:s6], $0xF7A  }
0x23: {  	s9 =	sor.u32 $0xD0000000, s2;
	s6 =	simm.s32 $0x108;
	_ =	swait.ge @!p0 [sflag:s8], $0x0  }
0x24: {  	s3 =	sadd.s32 $0x88, s3;
	s6 =	simm.s32 @!p1 $0x1082;
	[sflag:s4] =	ssyncset.s32 $0xFFFFF086  }
0x25: {  	[simem:s6], [sflag:s4] =	dma.local [hbm:s3], $0xF7A  }
0x26: {  	[smem:$0x3F99] =	sst s1;
	(tag) =	ssettag s2;
	_ =	strace s9  }
0x27: {  	s1 =	sld [smem:$0x3FA9]  }
0x28: {  	s2 =	sld [smem:$0x3FAA]  }
0x29: {  	s4 =	sld [smem:$0x3FAC]  }
0x2a: {  	p0 =	seq.s32 s5, $0x0;
	s5 =	sld [smem:$0x3FAD]  }
0x2b: {  	s6 =	sld [smem:$0x3FAE]  }
0x2c: {  	s7 =	sld [smem:$0x3FAF]  }
0x2d: {  	s3 =	simm.s32 $0x108;
	s8 =	sld [smem:$0x3FB0]  }
0x2e: {  	s3 =	simm.s32 @!p0 $0x1082;
	s9 =	sld [smem:$0x3FB1]  }
0x2f: {  	lr =	sadd.s32 s0, s3;
	s0 =	sld [smem:$0x3FA8]  }
0x30: {  	s3 =	sld [smem:$0x3FAB]  }
0x31: {  	[smem:$0x3FB4] =	sst s10  }
0x32: {  	s10 =	sld [smem:$0x3FB2];
	_ =	sdelay $0x3  }
0x33: {  	p0 =	seq.s32 s10, $0x1;
	s10 =	sld [smem:$0x3FB4];
	_ =	sdelay $0x3  }
0x34: {  	[smem:$0x3FB4] =	sst s10  }
0x35: {  	s10 =	sld [smem:$0x3FB3];
	_ =	sdelay $0x3  }
0x36: {  	p1 =	seq.s32 s10, $0x1;
	s10 =	sld [smem:$0x3FB4];
	_ =	sdelay $0x3  }
0x37: {  	[smem:$0x3FB4] =	sst s10  }
0x38: {  	s10 =	sld [smem:$0x3FB5]  }
0x39: {  	_ = 	snop;
	(pc) =	sbr.ind lr, $3  }
0x3a: {  	_ = 	snop  }
0x3b: {  	_ = 	snop  }
0x3c: {  	p2 =	seq.s32 s10, $0x1;
	s10 =	sld [smem:$0x3FB4]  }
0x3d: {  	_ =	shalt  }
0x3e: {  	_ =	shalt  }
0x3f: {  	_ =	shalt  }
0x40: {  	_ =	shalt  }
0x41: {  	_ =	shalt  }
0x42: {  	_ =	shalt  }
0x43: {  	_ =	shalt  }
0x44: {  	_ =	shalt  }
0x45: {  	_ =	shalt  }
0x46: {  	_ =	shalt  }
0x47: {  	_ =	shalt  }
0x48: {  	_ =	shalt  }
0x49: {  	_ =	shalt  }
0x4a: {  	_ =	shalt  }
0x4b: {  	_ =	shalt  }
0x4c: {  	_ =	shalt  }
0x4d: {  	_ =	shalt  }
0x4e: {  	_ =	shalt  }
0x4f: {  	_ =	shalt  }
0x50: {  	_ =	shalt  }
0x51: {  	_ =	shalt  }
0x52: {  	_ =	shalt  }
0x53: {  	_ =	shalt  }
0x54: {  	_ =	shalt  }
0x55: {  	_ =	shalt  }
0x56: {  	_ =	shalt  }
0x57: {  	_ =	shalt  }
0x58: {  	_ =	shalt  }
0x59: {  	_ =	shalt  }
0x5a: {  	_ =	shalt  }
0x5b: {  	_ =	shalt  }
0x5c: {  	_ =	shalt  }
0x5d: {  	_ =	shalt  }
0x5e: {  	_ =	shalt  }
0x5f: {  	_ =	shalt  }
0x60: {  	_ =	shalt  }
0x61: {  	_ =	shalt  }
0x62: {  	_ =	shalt  }
0x63: {  	_ =	shalt  }
0x64: {  	_ =	shalt  }
0x65: {  	_ =	shalt  }
0x66: {  	_ =	shalt  }
0x67: {  	_ =	shalt  }
0x68: {  	_ =	shalt  }
0x69: {  	_ =	shalt  }
0x6a: {  	_ =	shalt  }
0x6b: {  	_ =	shalt  }
0x6c: {  	_ =	shalt  }
0x6d: {  	_ =	shalt  }
0x6e: {  	_ =	shalt  }
0x6f: {  	_ =	shalt  }
0x70: {  	_ =	shalt  }
0x71: {  	_ =	shalt  }
0x72: {  	_ =	shalt  }
0x73: {  	_ =	shalt  }
0x74: {  	_ =	shalt  }
0x75: {  	_ =	shalt  }
0x76: {  	_ =	shalt  }
0x77: {  	_ =	shalt  }
0x78: {  	_ =	shalt  }
0x79: {  	_ =	shalt  }
0x7a: {  	_ =	shalt  }
0x7b: {  	_ =	shalt  }
0x7c: {  	_ =	shalt  }
0x7d: {  	_ =	shalt  }
0x7e: {  	_ =	shalt  }
0x7f: {  	_ =	shalt  }
0x80: {  	_ =	shalt  }
0x81: {  	_ =	shalt  }
0x82: {  	_ =	shalt  }
0x83: {  	_ =	shalt  }
0x84: {  	_ =	shalt  }
0x85: {  	_ =	shalt  }
0x86: {  	_ =	shalt  }
0x87: {  	_ =	shalt  }
.Lfunc_end0:
.L_simem_size_0:
called_computation.1_lowered:
.L_overlay_start_0:
0x88: {  	s2 =	sld [smem:$0x3FD9]  }
0x89: {  	s3 =	sld [smem:$0x3FFE];
	_ =	sdelay $0x1  }
0x8a: {  	s1 =	srdreg.scid  }
0x8b: {  	s0 =	sand.u32 $0x1, s1  }
0x8c: {  	s17 =	sshll.u32 s0, $0xA;
	s2 =	sadd.s32 s3, s2  }
0x8d: {  	s2 =	sadd.s32 s2, s17  }
0x8e: {  	[smem:$0x3FC0] =	sst s2  }
0x8f: {  	_ = 	snop  }
0x90: {  	s2 =	sld [smem:$0x3FD0];
	(tm) =	ssettm $0x1  }
0x91: {  	s18 =	sld [smem:$0x3FFB];
	_ =	sdelay $0x3  }
0x92: {  	_ =	strace s18  }
0x93: {  	s3 =	sld [smem:$0x3FFC];
	_ =	sdelay $0x3  }
0x94: {  	_ =	strace s3  }
0x95: {  	s3 =	sld [smem:$0x3FFD];
	_ =	sdelay $0x3  }
0x96: {  	_ =	strace s3  }
0x97: {  	_ =	strace $0x8FFFFFFF  }
0x98: {  	s19 =	sld [smem:$0x3FDB];
	_ =	sdelay $0x1  }
0x99: {  	s4 =	simm.s32 $_scs_section_size  }
0x9a: {  	s5 =	simm.s32 $_size__tile_overlayer_lowered;
	s6 =	simm.s32 $_tile_overlayer_lowered  }
0x9b: {  	s22 =	simm.s32 $0x1BFF;
	s21 =	sshll.u32 s6, $0x1;
	s3 =	sadd.s32 s4, s19  }
0x9c: {  	s7 =	simm.s32 $0x0;
	s20 =	sshll.u32 s5, $0x1;
	s5 =	sadd.s32 s21, s3  }
0x9d: {  	[timem:s7], [sflag:s22] =	dma.local [hbm:s5], s20  }
0x9e: {  	_ =	swait.ge [sflag:s22], s20  }
0x9f: {  	s4 =	ssub.s32 $0x0, s20;
	[sflag:s22] =	ssyncset.done $0x0  }
0xa0: {  	[sflag:s22] =	ssyncadd.s32 s4;
	_ =	sdelay $0x1  }
0xa1: {  	s23 =	simm.s32 $0x1B8B  }
0xa2: {  	_ =	swait.ge [sflag:s23], $0x1  }
0xa3: {  	[sflag:s23] =	ssyncset.done $0x0  }
0xa4: {  	s25 =	simm.s32 $0x1B8E;
	s24 =	sld [smem:$0x3FFE];
	[sflag:s23] =	ssyncadd.s32 $0xFFFFFFFF  }
0xa5: {  	s26 =	simm.s32 $execute0_lowered;
	[smem:$0x3FD2] =	sst s25  }
0xa6: {  	s5 =	sshll.u32 s26, $0x1;
	_ =	strace $0x80000049;
	[dreg:$0x1] =	wrdreg $0xFFFFFFFF  }
0xa7: {  	s28 =	simm.s32 $_size_execute0_lowered;
	s3 =	sadd.s32 s3, s5;
	[dreg:$0x0] =	wrdreg $0x0  }
0xa8: {  	s5 =	sshll.u32 s28, $0x1;
	[dreg:$0x2] =	wrdreg s3  }
0xa9: {  	[dreg:$0x3] =	wrdreg s5  }
0xaa: {  	[dreg:$0x4] =	wrdreg $0xC0  }
0xab: {  	_ =	task [dreg:s7], $0x5FFFF  }
0xac: {  	[dreg:$0x1] =	wrdreg $0xFFFFFFFF  }
0xad: {  	[dreg:$0x0] =	wrdreg $0x60  }
0xae: {  	[dreg:$0x2] =	wrdreg s24  }
0xaf: {  	[dreg:$0x3] =	wrdreg s2  }
0xb0: {  	[dreg:$0x4] =	wrdreg $0x67000  }
0xb1: {  	[dreg:$0x5] =	wrdreg $0x9  }
0xb2: {  	_ =	task.clear_ibuf [dreg:s7], $0x6FFFF;
	_ =	strace $0x90000049  }
0xb3: {  	s29 =	simm.s32 $0x9;
	_ =	strace $0x8000004B  }
0xb4: {  	_ =	swait.ge [sflag:s29], $0x1  }
0xb5: {  	[sflag:s29] =	ssyncadd.s32 $0xFFFFFFFF  }
0xb6: {  	_ =	strace $0x9000004B  }
0xb7: {  	_ =	sfence  }
0xb8: {  	s30 =	sld [smem:$0x0];
	_ =	sdelay $0x2  }
0xb9: {  	s31 =	sshll.u32 s1, $0xD;
	s1 =	sshrl.u32 s1, $0x2  }
0xba: {  	s3 =	sand.u32 $0x4000, s31;
	s1 =	sadd.s32 s1, s30  }
0xbb: {  	s0 =	sor.u32 s3, s0;
	s1 =	sshll.u32 s1, $0x11  }
0xbc: {  	s0 =	sor.u32 s1, s0  }
0xbd: {  	s0 =	sadd.s32 $0x8F2B, s0  }
0xbe: {  	[sflag:s0] =	ssyncadd.remote.s32 $0x1  }
0xbf: {  	_ =	sfence.sel $0xFFFF  }
0xc0: {  	[dreg:$0x0] =	wrdreg $0xFFFFFFFF;
	(pc) =	sbr.abs _section_cstart, $3  }
0xc1: {  	[dreg:$0x1] =	wrdreg $0xFFFFFFFF  }
0xc2: {  	_ =	task.clear_ibuf [dreg:s7], $0x2FFFF;
	_ =	strace $0x9FFFFFFF  }
0xc3: {  	(tm) =	ssettm $0x7FFFFFFF  }
tec
execute0_lowered:
.L_overlay_start_1:
0x0: {  	(tag) =	ssettag $0x1  }
0x1: {  	s6 =	rddreg [dreg:$0x0]  }
0x2: {  	s0 =	srdreg.scid;
	s7 =	rddreg [dreg:$0x1]  }
0x3: {  	s2 =	rddreg [dreg:$0x2];
	s3 =	simm.s32 $0x0;
	s15 =	simm.s32 $0x4F00  }
0x4: {  	s16 =	simm.s32 $0x5B00;
	s17 =	simm.s32 $0x1;
	s18 =	simm.s32 $0x2  }
0x5: {  	s19 =	simm.s32 $0x2740;
	s20 =	simm.s32 $0x4E80;
	s21 =	simm.s32 $0x4EC0  }
0x6: {  	s22 =	simm.s32 $0x0;
	s5 =	sand.u32 $0x1, s0;
	s0 =	stileid.u32  }
0x7: {  	[smem:$0x7FF] =	sst s3;
	s4 =	sadd.s32 $0xE00, s6;
	s9 =	smul.u32 $0x7680, s0  }
0x8: {  	s1 =	sshll.u32 s5, $0x4;
	s10 =	smul.u32 $0x76800, s5;
	s5 =	ssub.s32 $0x2, s5  }
0x9: {  	s31 =	sshll.u32 s0, $0x6;
	s1 =	sor.u32 s0, s1;
	s30 =	sshrl.u32 s5, $0x1  }
0xa: {  	s8 =	smul.u32 $0x4F0, s1;
	s1 =	rddreg [dreg:$0x3];
	_ =	strace $0x8000004A  }
0xb: {  	s10 =	sadd.s32 s9, s10;
	s12 =	sshrl.u32 s9, $0x3;
	s13 =	ssub.s32 s5, s30  }
0xc: {  	s14 =	sadd.s32 s9, s2;
	s10 =	sshrl.u32 s10, $0x3;
	s12 =	sadd.s32 s12, s6  }
0xd: {  	s11 =	sadd.s32 s8, s6;
	s10 =	sadd.s32 s10, s6;
	s5 =	sadd.s32 $0xFA00, s12  }
0xe: {  	s6 =	sor.u32 $0x1C03, s31;
	s7 =	sadd.s32 s7, s8;
	s12 =	simm.s32 $0x3  }
0xf: {  	s8 =	sadd.s32 $0x2CE00, s11;
	s9 =	sadd.s32 $0x36C00, s10;
	s10 =	smax.u32 s13, $0x1  }
0x10: {  	s11 =	sshrl.u32 s14, $0x3;
	s13 =	simm.s32 $0x2780;
	s14 =	simm.s32 $0x40  }
.LBB2_1:
0x11: {  	[spmem:s11], [sflag:s6] =	dma.local [hbm:s5], $0xED0  }
0x12: {  	_ =	swait.ge [sflag:s12], $0xED0  }
0x13: {  	[sflag:s12] =	ssyncset.done $0x0  }
0x14: {  	[sflag:s12] =	ssyncadd.s32 $0xFFFFF130  }
0x15: {  	[tilespmem:s3], [sflag:$0x3] =	stream.linear.gather [hbm4b:s7+s3], $0x2780, $0x38;
	[tilespmem:$0xDD80] =	vst v63  }
0x16: {  	_ =	swait.ge [sflag:s12], $0x2780  }
0x17: {  	[sflag:s12] =	ssyncset.done $0x0  }
0x18: {  	[sflag:s12] =	ssyncadd.s32 $0xFFFFD880  }
0x19: {  	[tilespmem:s13], [sflag:$0x3] =	stream.linear.gather [hbm4b:s8+s3], $0x2780, $0x38;
	[tilespmem:$0xDD80] =	vst v63  }
0x1a: {  	_ =	swait.ge [sflag:s12], $0x2780  }
0x1b: {  	[sflag:s12] =	ssyncset.done $0x0  }
0x1c: {  	[sflag:s12] =	ssyncadd.s32 $0xFFFFD880  }
0x1d: {  	[bflag:$0x0] =	sbarrier.arrive $0xFFFF  }
0x1e: {  	[tilespmem:s15], [sflag:$0x1] =	stream.indirect.gather [hbm4b:s4+s14], $0x30, s3, s14, $0xb8;
	[tilespmem:$0xDD80] =	vst v63  }
0x1f: {  	s23 =	simm.s32 $0x40  }
0x20: {  	[tilespmem:s16], [sflag:$0x2] =	stream.indirect.gather [hbm4b:s4+s14], $0x30, s23, s14, $0xb8;
	[tilespmem:$0xDD80] =	vst v63  }
0x21: {  	_ =	swait.ge [sflag:s17], $0xC00  }
0x22: {  	[sflag:s17] =	ssyncset.done $0x0  }
0x23: {  	s29 =	simm.s32 $0x2780;
	[sflag:s17] =	ssyncadd.s32 $0xFFFFF400  }
0x24: {  	[spmem:s2] =	stream.indirect.scatter.add.f32 [tilespmem:s15], [sflag:$0x3], $0x30, s29, s14, $0xb8;
	[tilespmem:$0xDD80] =	vst v63  }
0x25: {  	_ =	swait.ge [sflag:s12], $0xC00  }
0x26: {  	[sflag:s12] =	ssyncset.done $0x0  }
0x27: {  	s30 =	simm.s32 $0x80;
	[sflag:s12] =	ssyncadd.s32 $0xFFFFF400  }
0x28: {  	[tilespmem:s15], [sflag:$0x1] =	stream.indirect.gather [hbm4b:s4+s14], $0x30, s30, s14, $0xb8;
	[tilespmem:$0xDD80] =	vst v63  }
0x29: {  	_ =	swait.ge [sflag:s18], $0xC00  }
0x2a: {  	[sflag:s18] =	ssyncset.done $0x0  }
0x2b: {  	s31 =	simm.s32 $0x27C0;
	[sflag:s18] =	ssyncadd.s32 $0xFFFFF400  }
0x2c: {  	[spmem:s2] =	stream.indirect.scatter.add.f32 [tilespmem:s16], [sflag:$0x3], $0x30, s31, s14, $0xb8;
	[tilespmem:$0xDD80] =	vst v63  }
0x2d: {  	_ =	swait.ge [sflag:s12], $0xC00  }
0x2e: {  	s24 =	simm.s32 $0x400;
	s23 =	simm.s32 $0x80;
	[sflag:s12] =	ssyncset.done $0x0  }
.LBB2_2:
0x2f: {  	s25 =	sadd.s32 $0x40, s23  }
0x30: {  	[sflag:s12] =	ssyncadd.s32 $0xFFFFF400;
	s26 =	smov.u32 s24;
	s28 =	sadd.s32 $0x200, s24  }
0x31: {  	[tilespmem:s16], [sflag:$0x2] =	stream.indirect.gather [hbm4b:s4+s14], $0x30, s25, s14, $0xb8;
	[tilespmem:$0xDD80] =	vst v63  }
0x32: {  	p0 =	sne.s32 s24, $0x9A00;
	_ =	swait.ge [sflag:s17], $0xC00  }
0x33: {  	[sflag:s17] =	ssyncset.done $0x0  }
0x34: {  	s24 =	sadd.s32 $0x2780, s23;
	[sflag:s17] =	ssyncadd.s32 $0xFFFFF400  }
0x35: {  	[spmem:s2] =	stream.indirect.scatter.add.f32 [tilespmem:s15], [sflag:$0x3], $0x30, s24, s14, $0xb8;
	[tilespmem:$0xDD80] =	vst v63  }
0x36: {  	_ =	swait.ge [sflag:s12], $0xC00  }
0x37: {  	[sflag:s12] =	ssyncset.done $0x0  }
0x38: {  	s24 =	sadd.s32 $0x80, s23;
	[sflag:s12] =	ssyncadd.s32 $0xFFFFF400  }
0x39: {  	[tilespmem:s15], [sflag:$0x1] =	stream.indirect.gather [hbm4b:s4+s14], $0x30, s24, s14, $0xb8;
	[tilespmem:$0xDD80] =	vst v63  }
0x3a: {  	_ =	swait.ge [sflag:s18], $0xC00  }
.Ltmp0:
0x3b: {  	[sflag:s18] =	ssyncset.done $0x0;
	(pc) =	sbr.rel @p0 .LBB2_2-.Ltmp0, $4  }
0x3c: {  	s23 =	sadd.s32 $0x27C0, s23;
	[sflag:s18] =	ssyncadd.s32 $0xFFFFF400  }
0x3d: {  	[spmem:s2] =	stream.indirect.scatter.add.f32 [tilespmem:s16], [sflag:$0x3], $0x30, s23, s14, $0xb8;
	[tilespmem:$0xDD80] =	vst v63  }
0x3e: {  	_ =	swait.ge [sflag:s12], $0xC00  }
0x3f: {  	s24 =	smov.u32 s28;
	s23 =	sshra.s32 s26, $0x2;
	[sflag:s12] =	ssyncset.done $0x0  }
0x40: {  	s24 =	sadd.s32 $0x40, s23;
	[sflag:s12] =	ssyncadd.s32 $0xFFFFF400  }
0x41: {  	[tilespmem:s16], [sflag:$0x2] =	stream.indirect.gather [hbm4b:s4+s14], $0x30, s24, s14, $0xb8;
	[tilespmem:$0xDD80] =	vst v63  }
0x42: {  	_ =	swait.ge [sflag:s17], $0xC00  }
0x43: {  	[sflag:s17] =	ssyncset.done $0x0  }
0x44: {  	s29 =	sadd.s32 $0x2780, s23;
	[sflag:s17] =	ssyncadd.s32 $0xFFFFF400  }
0x45: {  	[spmem:s2] =	stream.indirect.scatter.add.f32 [tilespmem:s15], [sflag:$0x3], $0x30, s29, s14, $0xb8;
	[tilespmem:$0xDD80] =	vst v63  }
0x46: {  	_ =	swait.ge [sflag:s12], $0xC00  }
0x47: {  	[sflag:s12] =	ssyncset.done $0x0  }
0x48: {  	s30 =	sadd.s32 $0x80, s23;
	[sflag:s12] =	ssyncadd.s32 $0xFFFFF400  }
0x49: {  	[tilespmem:s15], [sflag:$0x1] =	stream.indirect.gather [hbm4b:s4+s14], $0x30, s30, s14, $0xb8;
	[tilespmem:$0xDD80] =	vst v63  }
0x4a: {  	_ =	swait.ge [sflag:s18], $0xC00  }
0x4b: {  	[sflag:s18] =	ssyncset.done $0x0  }
0x4c: {  	s31 =	sadd.s32 $0x27C0, s23;
	[sflag:s18] =	ssyncadd.s32 $0xFFFFF400  }
0x4d: {  	[spmem:s2] =	stream.indirect.scatter.add.f32 [tilespmem:s16], [sflag:$0x3], $0x30, s31, s14, $0xb8;
	[tilespmem:$0xDD80] =	vst v63  }
0x4e: {  	_ =	swait.ge [sflag:s12], $0xC00  }
0x4f: {  	[sflag:s12] =	ssyncset.done $0x0  }
0x50: {  	[sflag:s12] =	ssyncadd.s32 $0xFFFFF400  }
0x51: {  	[tilespmem:s16], [sflag:$0x2] =	stream.indirect.gather [hbm4b:s4+s14], $0x30, s19, s14, $0xb8;
	[tilespmem:$0xDD80] =	vst v63  }
0x52: {  	_ =	swait.ge [sflag:s17], $0xC00  }
0x53: {  	[sflag:s17] =	ssyncset.done $0x0  }
0x54: {  	[sflag:s17] =	ssyncadd.s32 $0xFFFFF400  }
0x55: {  	[spmem:s2] =	stream.indirect.scatter.add.f32 [tilespmem:s15], [sflag:$0x3], $0x30, s20, s14, $0xb8;
	[tilespmem:$0xDD80] =	vst v63  }
0x56: {  	_ =	swait.ge [sflag:s12], $0xC00  }
0x57: {  	[sflag:s12] =	ssyncset.done $0x0  }
0x58: {  	[sflag:s12] =	ssyncadd.s32 $0xFFFFF400  }
0x59: {  	_ =	swait.ge [sflag:s18], $0xC00  }
0x5a: {  	[sflag:s18] =	ssyncset.done $0x0  }
0x5b: {  	[sflag:s18] =	ssyncadd.s32 $0xFFFFF400  }
0x5c: {  	[spmem:s2] =	stream.indirect.scatter.add.f32 [tilespmem:s16], [sflag:$0x3], $0x30, s21, s14, $0xb8;
	[tilespmem:$0xDD80] =	vst v63  }
0x5d: {  	_ =	swait.ge [sflag:s12], $0xC00  }
0x5e: {  	s22 =	sadd.s32 $0x1, s22;
	[sflag:s12] =	ssyncset.done $0x0  }
0x5f: {  	p0 =	sne.s32 s22, s10;
	[sflag:s12] =	ssyncadd.s32 $0xFFFFF400  }
.Ltmp1:
0x60: {  	[bflag:$0x0] =	sbarrier.arrive $0xFFFF;
	(pc) =	sbr.rel @p0 .LBB2_1-.Ltmp1, $4  }
0x61: {  	[hbm:s9], [sflag:s6] =	dma.local [spmem:s11], $0xED0  }
0x62: {  	_ =	swait.ge [sflag:s12], $0xED0  }
0x63: {  	[sflag:s12] =	ssyncset.done $0x0  }
0x64: {  	[sflag:s12] =	ssyncadd.s32 $0xFFFFF130  }
0x65: {  	_ =	sfence.sel $0x180000  }
0x66: {  	[bflag:$0x0] =	sbarrier.arrive $0xFFFF  }
0x67: {  	p0 =	sne.s32 s0, $0x0;
	_ =	strace $0x9000004A  }
0x68: {  	s0 =	sadd.s32 @!p0 $0x100000, s1;
	[bflag:$0x2] =	sbarrier.arrive $0xFFFF  }
0x69: {  	[sflag:s0] =	ssyncadd.tile.s32 @!p0 $0x1;
	_ =	shalt  }
.Lfunc_end2:
_tile_overlayer_lowered:
.L_overlay_start_2:
0x6a: {  	(tag) =	ssettag $0x2  }
0x6b: {  	s0 =	rddreg [dreg:$0x0];
	s2 =	stileid.u32  }
0x6c: {  	s1 =	rddreg [dreg:$0x1];
	p0 =	sne.s32 s2, $0x0  }
0x6d: {  	s3 =	rddreg [dreg:$0x2];
	[bflag:$0x3] =	sbarrier.arrive $0xFFFF;
	s2 =	simm.s32 @!p0 $0x1C03  }
0x6e: {  	[timem:s3], [sflag:s2] =	dma.local @!p0 [hbm:s0], s1  }
0x6f: {  	s0 =	simm.s32 @!p0 $0x3  }
0x70: {  	_ =	swait.ge @!p0 [sflag:s0], s1  }
0x71: {  	s1 =	ssub.s32 @!p0 $0x0, s1;
	[sflag:s0] =	ssyncset.done @!p0 $0x0  }
0x72: {  	[sflag:s0] =	ssyncadd.s32 @!p0 s1  }
0x73: {  	[bflag:$0x3] =	sbarrier.arrive $0xFFFF  }
0x74: {  	_ =	shalt  }

// kernel: kernel.7.cloned.1.call-start
scs
__scs_entry_jumppad:
0x0: {  	(pc) =	sbr.rel $0x88, $3  }
0x1: {  	(tag) =	ssettag $0x0;
	lr =	simm.s32 $0x1  }
0x2: {  	[smem:$0x3F99] =	sst lr;
	_ =	strace $0xD0000000  }
0x3: {  	_ = 	snop  }
0x4: {  	_ = 	snop  }
0x5: {  	_ = 	snop  }
0x6: {  	_ = 	snop  }
0x7: {  	_ = 	snop  }
__scs_overlays_trampoline_lowered:
0x8: {  	[smem:$0x3FA8] =	sst s0  }
0x9: {  	[smem:$0x3FA9] =	sst s1  }
0xa: {  	[smem:$0x3FAA] =	sst s2  }
0xb: {  	[smem:$0x3FAB] =	sst s3  }
0xc: {  	[smem:$0x3FAC] =	sst s4  }
0xd: {  	[smem:$0x3FAD] =	sst s5  }
0xe: {  	[smem:$0x3FAE] =	sst s6  }
0xf: {  	[smem:$0x3FAF] =	sst s7  }
0x10: {  	[smem:$0x3FB0] =	sst s8  }
0x11: {  	[smem:$0x3FB1] =	sst s9;
	s0 =	simm.s32 @!p0 $0x0  }
0x12: {  	s1 =	sld [smem:$0x3F97];
	s0 =	simm.s32 @p0 $0x1  }
0x13: {  	[smem:$0x3FB2] =	sst s0;
	s0 =	simm.s32 @!p1 $0x0  }
0x14: {  	s2 =	sld [smem:$0x3F96];
	s0 =	simm.s32 @p1 $0x1  }
0x15: {  	[smem:$0x3FB3] =	sst s0;
	s0 =	simm.s32 @!p2 $0x0  }
0x16: {  	s3 =	sld [smem:$0x3FDB];
	s0 =	simm.s32 @p2 $0x1  }
0x17: {  	s4 =	simm.s32 $0x1BF5;
	[smem:$0x3FB5] =	sst s0  }
0x18: {  	s0 =	sld [smem:$0x3F98];
	_ =	swait.ge [sflag:s4], $0x0  }
0x19: {  	s7 =	sld [smem:$0x3F99]  }
0x1a: {  	s8 =	sadd.s32 $0xFFFFE003, lr  }
0x1b: {  	s9 =	sadd.s32 $0xFFFFFEF7, lr;
	s5 =	simm.s32 $0xFFFFFFFF;
	p2 =	slt.u32 s8, $0xFFFFF086  }
0x1c: {  	p1 =	slt.u32 s9, $0xF7A;
	s5 =	simm.s32 @!p2 $0x0  }
0x1d: {  	s5 =	simm.s32 @p1 $0x1;
	p0 =	seq.s32 s7, s2  }
0x1e: {  	s7 =	smul.u32 @!p0 $0xF7A, s2;
	p2 =	seq.s32 @!p0 s5, $0x0  }
0x1f: {  	s9 =	smul.u32 $0xF7A, s1;
	s8 =	simm.s32 @!p0 $0x1BF5;
	p2 =	por !p2, p0  }
0x20: {  	[sflag:s8] =	ssyncset.s32 @!p0 $0xFFFFF086;
	s6 =	sadd.s32 @!p0 s3, s7;
	s7 =	simm.s32 @!p0 $0x108  }
0x21: {  	s3 =	sadd.s32 s3, s9;
	s6 =	sadd.s32 @!p0 $0x88, s6;
	s7 =	simm.s32 @p2 $0x1082  }
0x22: {  	[simem:s7], [sflag:s8] =	dma.local @!p0 [hbm:s6], $0xF7A  }
0x23: {  	s9 =	sor.u32 $0xD0000000, s2;
	s6 =	simm.s32 $0x108;
	_ =	swait.ge @!p0 [sflag:s8], $0x0  }
0x24: {  	s3 =	sadd.s32 $0x88, s3;
	s6 =	simm.s32 @!p1 $0x1082;
	[sflag:s4] =	ssyncset.s32 $0xFFFFF086  }
0x25: {  	[simem:s6], [sflag:s4] =	dma.local [hbm:s3], $0xF7A  }
0x26: {  	[smem:$0x3F99] =	sst s1;
	(tag) =	ssettag s2;
	_ =	strace s9  }
0x27: {  	s1 =	sld [smem:$0x3FA9]  }
0x28: {  	s2 =	sld [smem:$0x3FAA]  }
0x29: {  	s4 =	sld [smem:$0x3FAC]  }
0x2a: {  	p0 =	seq.s32 s5, $0x0;
	s5 =	sld [smem:$0x3FAD]  }
0x2b: {  	s6 =	sld [smem:$0x3FAE]  }
0x2c: {  	s7 =	sld [smem:$0x3FAF]  }
0x2d: {  	s3 =	simm.s32 $0x108;
	s8 =	sld [smem:$0x3FB0]  }
0x2e: {  	s3 =	simm.s32 @!p0 $0x1082;
	s9 =	sld [smem:$0x3FB1]  }
0x2f: {  	lr =	sadd.s32 s0, s3;
	s0 =	sld [smem:$0x3FA8]  }
0x30: {  	s3 =	sld [smem:$0x3FAB]  }
0x31: {  	[smem:$0x3FB4] =	sst s10  }
0x32: {  	s10 =	sld [smem:$0x3FB2];
	_ =	sdelay $0x3  }
0x33: {  	p0 =	seq.s32 s10, $0x1;
	s10 =	sld [smem:$0x3FB4];
	_ =	sdelay $0x3  }
0x34: {  	[smem:$0x3FB4] =	sst s10  }
0x35: {  	s10 =	sld [smem:$0x3FB3];
	_ =	sdelay $0x3  }
0x36: {  	p1 =	seq.s32 s10, $0x1;
	s10 =	sld [smem:$0x3FB4];
	_ =	sdelay $0x3  }
0x37: {  	[smem:$0x3FB4] =	sst s10  }
0x38: {  	s10 =	sld [smem:$0x3FB5]  }
0x39: {  	_ = 	snop;
	(pc) =	sbr.ind lr, $3  }
0x3a: {  	_ = 	snop  }
0x3b: {  	_ = 	snop  }
0x3c: {  	p2 =	seq.s32 s10, $0x1;
	s10 =	sld [smem:$0x3FB4]  }
0x3d: {  	_ =	shalt  }
0x3e: {  	_ =	shalt  }
0x3f: {  	_ =	shalt  }
0x40: {  	_ =	shalt  }
0x41: {  	_ =	shalt  }
0x42: {  	_ =	shalt  }
0x43: {  	_ =	shalt  }
0x44: {  	_ =	shalt  }
0x45: {  	_ =	shalt  }
0x46: {  	_ =	shalt  }
0x47: {  	_ =	shalt  }
0x48: {  	_ =	shalt  }
0x49: {  	_ =	shalt  }
0x4a: {  	_ =	shalt  }
0x4b: {  	_ =	shalt  }
0x4c: {  	_ =	shalt  }
0x4d: {  	_ =	shalt  }
0x4e: {  	_ =	shalt  }
0x4f: {  	_ =	shalt  }
0x50: {  	_ =	shalt  }
0x51: {  	_ =	shalt  }
0x52: {  	_ =	shalt  }
0x53: {  	_ =	shalt  }
0x54: {  	_ =	shalt  }
0x55: {  	_ =	shalt  }
0x56: {  	_ =	shalt  }
0x57: {  	_ =	shalt  }
0x58: {  	_ =	shalt  }
0x59: {  	_ =	shalt  }
0x5a: {  	_ =	shalt  }
0x5b: {  	_ =	shalt  }
0x5c: {  	_ =	shalt  }
0x5d: {  	_ =	shalt  }
0x5e: {  	_ =	shalt  }
0x5f: {  	_ =	shalt  }
0x60: {  	_ =	shalt  }
0x61: {  	_ =	shalt  }
0x62: {  	_ =	shalt  }
0x63: {  	_ =	shalt  }
0x64: {  	_ =	shalt  }
0x65: {  	_ =	shalt  }
0x66: {  	_ =	shalt  }
0x67: {  	_ =	shalt  }
0x68: {  	_ =	shalt  }
0x69: {  	_ =	shalt  }
0x6a: {  	_ =	shalt  }
0x6b: {  	_ =	shalt  }
0x6c: {  	_ =	shalt  }
0x6d: {  	_ =	shalt  }
0x6e: {  	_ =	shalt  }
0x6f: {  	_ =	shalt  }
0x70: {  	_ =	shalt  }
0x71: {  	_ =	shalt  }
0x72: {  	_ =	shalt  }
0x73: {  	_ =	shalt  }
0x74: {  	_ =	shalt  }
0x75: {  	_ =	shalt  }
0x76: {  	_ =	shalt  }
0x77: {  	_ =	shalt  }
0x78: {  	_ =	shalt  }
0x79: {  	_ =	shalt  }
0x7a: {  	_ =	shalt  }
0x7b: {  	_ =	shalt  }
0x7c: {  	_ =	shalt  }
0x7d: {  	_ =	shalt  }
0x7e: {  	_ =	shalt  }
0x7f: {  	_ =	shalt  }
0x80: {  	_ =	shalt  }
0x81: {  	_ =	shalt  }
0x82: {  	_ =	shalt  }
0x83: {  	_ =	shalt  }
0x84: {  	_ =	shalt  }
0x85: {  	_ =	shalt  }
0x86: {  	_ =	shalt  }
0x87: {  	_ =	shalt  }
.Lfunc_end0:
.L_simem_size_0:
called_computation_lowered:
.L_overlay_start_0:
0x88: {  	s2 =	sld [smem:$0x3FD9]  }
0x89: {  	s3 =	sld [smem:$0x3FFE];
	_ =	sdelay $0x1  }
0x8a: {  	s1 =	srdreg.scid  }
0x8b: {  	s0 =	sand.u32 $0x1, s1  }
0x8c: {  	s17 =	sshll.u32 s0, $0xA;
	s2 =	sadd.s32 s3, s2  }
0x8d: {  	s2 =	sadd.s32 s2, s17  }
0x8e: {  	[smem:$0x3FC0] =	sst s2  }
0x8f: {  	_ = 	snop  }
0x90: {  	s2 =	sld [smem:$0x3FD0];
	(tm) =	ssettm $0x1  }
0x91: {  	s18 =	sld [smem:$0x3FFB];
	_ =	sdelay $0x3  }
0x92: {  	_ =	strace s18  }
0x93: {  	s3 =	sld [smem:$0x3FFC];
	_ =	sdelay $0x3  }
0x94: {  	_ =	strace s3  }
0x95: {  	s3 =	sld [smem:$0x3FFD];
	_ =	sdelay $0x3  }
0x96: {  	_ =	strace s3  }
0x97: {  	_ =	strace $0x8FFFFFFF  }
0x98: {  	s19 =	sld [smem:$0x3FDB];
	_ =	sdelay $0x1  }
0x99: {  	s4 =	simm.s32 $_scs_section_size  }
0x9a: {  	s5 =	simm.s32 $_size__tile_overlayer_lowered;
	s6 =	simm.s32 $_tile_overlayer_lowered  }
0x9b: {  	s22 =	simm.s32 $0x1BFF;
	s21 =	sshll.u32 s6, $0x1;
	s3 =	sadd.s32 s4, s19  }
0x9c: {  	s7 =	simm.s32 $0x0;
	s20 =	sshll.u32 s5, $0x1;
	s5 =	sadd.s32 s21, s3  }
0x9d: {  	[timem:s7], [sflag:s22] =	dma.local [hbm:s5], s20  }
0x9e: {  	_ =	swait.ge [sflag:s22], s20  }
0x9f: {  	s4 =	ssub.s32 $0x0, s20;
	[sflag:s22] =	ssyncset.done $0x0  }
0xa0: {  	[sflag:s22] =	ssyncadd.s32 s4;
	_ =	sdelay $0x1  }
0xa1: {  	s23 =	simm.s32 $0x1B8B  }
0xa2: {  	_ =	swait.ge [sflag:s23], $0x1  }
0xa3: {  	[sflag:s23] =	ssyncset.done $0x0  }
0xa4: {  	s25 =	simm.s32 $0x1B8E;
	s24 =	sld [smem:$0x3FFE];
	[sflag:s23] =	ssyncadd.s32 $0xFFFFFFFF  }
0xa5: {  	s26 =	simm.s32 $execute0_lowered;
	[smem:$0x3FD2] =	sst s25  }
0xa6: {  	s5 =	sshll.u32 s26, $0x1;
	_ =	strace $0x80000046;
	[dreg:$0x1] =	wrdreg $0xFFFFFFFF  }
0xa7: {  	s28 =	simm.s32 $_size_execute0_lowered;
	s3 =	sadd.s32 s3, s5;
	[dreg:$0x0] =	wrdreg $0x0  }
0xa8: {  	s5 =	sshll.u32 s28, $0x1;
	[dreg:$0x2] =	wrdreg s3  }
0xa9: {  	[dreg:$0x3] =	wrdreg s5  }
0xaa: {  	[dreg:$0x4] =	wrdreg $0xC0  }
0xab: {  	_ =	task [dreg:s7], $0x5FFFF  }
0xac: {  	[dreg:$0x1] =	wrdreg $0xFFFFFFFF  }
0xad: {  	[dreg:$0x0] =	wrdreg $0x60  }
0xae: {  	[dreg:$0x2] =	wrdreg s24  }
0xaf: {  	[dreg:$0x3] =	wrdreg s2  }
0xb0: {  	[dreg:$0x4] =	wrdreg $0x97000  }
0xb1: {  	[dreg:$0x5] =	wrdreg $0x9  }
0xb2: {  	_ =	task.clear_ibuf [dreg:s7], $0x6FFFF;
	_ =	strace $0x90000046  }
0xb3: {  	s29 =	simm.s32 $0x9;
	_ =	strace $0x80000048  }
0xb4: {  	_ =	swait.ge [sflag:s29], $0x1  }
0xb5: {  	[sflag:s29] =	ssyncadd.s32 $0xFFFFFFFF  }
0xb6: {  	_ =	strace $0x90000048  }
0xb7: {  	_ =	sfence  }
0xb8: {  	s30 =	sld [smem:$0x0];
	_ =	sdelay $0x2  }
0xb9: {  	s31 =	sshll.u32 s1, $0xD;
	s1 =	sshrl.u32 s1, $0x2  }
0xba: {  	s3 =	sand.u32 $0x4000, s31;
	s1 =	sadd.s32 s1, s30  }
0xbb: {  	s0 =	sor.u32 s3, s0;
	s1 =	sshll.u32 s1, $0x11  }
0xbc: {  	s0 =	sor.u32 s1, s0  }
0xbd: {  	s0 =	sadd.s32 $0x8F2B, s0  }
0xbe: {  	[sflag:s0] =	ssyncadd.remote.s32 $0x1  }
0xbf: {  	_ =	sfence.sel $0xFFFF  }
0xc0: {  	[dreg:$0x0] =	wrdreg $0xFFFFFFFF;
	(pc) =	sbr.abs _section_cstart, $3  }
0xc1: {  	[dreg:$0x1] =	wrdreg $0xFFFFFFFF  }
0xc2: {  	_ =	task.clear_ibuf [dreg:s7], $0x2FFFF;
	_ =	strace $0x9FFFFFFF  }
0xc3: {  	(tm) =	ssettm $0x7FFFFFFF  }
tec
execute0_lowered:
.L_overlay_start_1:
0x0: {  	(tag) =	ssettag $0x1  }
0x1: {  	s6 =	rddreg [dreg:$0x0]  }
0x2: {  	s0 =	srdreg.scid;
	s7 =	rddreg [dreg:$0x1]  }
0x3: {  	s2 =	rddreg [dreg:$0x2];
	s3 =	simm.s32 $0x0;
	s15 =	simm.s32 $0x4F00  }
0x4: {  	s16 =	simm.s32 $0x7300;
	s17 =	simm.s32 $0x1;
	s18 =	simm.s32 $0x2  }
0x5: {  	s19 =	simm.s32 $0x2740;
	s20 =	simm.s32 $0x4E80;
	s21 =	simm.s32 $0x4EC0  }
0x6: {  	s22 =	simm.s32 $0x0;
	s5 =	sand.u32 $0x1, s0;
	s0 =	stileid.u32  }
0x7: {  	[smem:$0x7FF] =	sst s3;
	s4 =	sadd.s32 $0xE00, s6;
	s9 =	smul.u32 $0x16380, s0  }
0x8: {  	s1 =	sshll.u32 s5, $0x4;
	s10 =	smul.u32 $0x163800, s5;
	s5 =	ssub.s32 $0x2, s5  }
0x9: {  	s31 =	sshll.u32 s0, $0x6;
	s1 =	sor.u32 s0, s1;
	s30 =	sshrl.u32 s5, $0x1  }
0xa: {  	s8 =	smul.u32 $0x4F0, s1;
	s1 =	rddreg [dreg:$0x3];
	_ =	strace $0x80000047  }
0xb: {  	s10 =	sadd.s32 s9, s10;
	s12 =	sshrl.u32 s9, $0x3;
	s13 =	ssub.s32 s5, s30  }
0xc: {  	s14 =	sadd.s32 s9, s2;
	s10 =	sshrl.u32 s10, $0x3;
	s12 =	sadd.s32 s12, s6  }
0xd: {  	s11 =	sadd.s32 s8, s6;
	s10 =	sadd.s32 s10, s6;
	s5 =	sadd.s32 $0x36C00, s12  }
0xe: {  	s6 =	sor.u32 $0x1C03, s31;
	s7 =	sadd.s32 s7, s8;
	s12 =	simm.s32 $0x3  }
0xf: {  	s8 =	sadd.s32 $0x2CE00, s11;
	s9 =	sadd.s32 $0x63400, s10;
	s10 =	smax.u32 s13, $0x1  }
0x10: {  	s11 =	sshrl.u32 s14, $0x3;
	s13 =	simm.s32 $0x2780;
	s14 =	simm.s32 $0x40  }
.LBB2_1:
0x11: {  	[spmem:s11], [sflag:s6] =	dma.local [hbm:s5], $0x2C70  }
0x12: {  	_ =	swait.ge [sflag:s12], $0x2C70  }
0x13: {  	[sflag:s12] =	ssyncset.done $0x0  }
0x14: {  	[sflag:s12] =	ssyncadd.s32 $0xFFFFD390  }
0x15: {  	[tilespmem:s3], [sflag:$0x3] =	stream.linear.gather [hbm4b:s7+s3], $0x2780, $0x38;
	[tilespmem:$0x1FA80] =	vst v63  }
0x16: {  	_ =	swait.ge [sflag:s12], $0x2780  }
0x17: {  	[sflag:s12] =	ssyncset.done $0x0  }
0x18: {  	[sflag:s12] =	ssyncadd.s32 $0xFFFFD880  }
0x19: {  	[tilespmem:s13], [sflag:$0x3] =	stream.linear.gather [hbm4b:s8+s3], $0x2780, $0x38;
	[tilespmem:$0x1FA80] =	vst v63  }
0x1a: {  	_ =	swait.ge [sflag:s12], $0x2780  }
0x1b: {  	[sflag:s12] =	ssyncset.done $0x0  }
0x1c: {  	[sflag:s12] =	ssyncadd.s32 $0xFFFFD880  }
0x1d: {  	[bflag:$0x0] =	sbarrier.arrive $0xFFFF  }
0x1e: {  	[tilespmem:s15], [sflag:$0x1] =	stream.indirect.gather [hbm4b:s4+s14], $0x90, s3, s14, $0xb8;
	[tilespmem:$0x1FA80] =	vst v63  }
0x1f: {  	s23 =	simm.s32 $0x40  }
0x20: {  	[tilespmem:s16], [sflag:$0x2] =	stream.indirect.gather [hbm4b:s4+s14], $0x90, s23, s14, $0xb8;
	[tilespmem:$0x1FA80] =	vst v63  }
0x21: {  	_ =	swait.ge [sflag:s17], $0x2400  }
0x22: {  	[sflag:s17] =	ssyncset.done $0x0  }
0x23: {  	s29 =	simm.s32 $0x2780;
	[sflag:s17] =	ssyncadd.s32 $0xFFFFDC00  }
0x24: {  	[spmem:s2] =	stream.indirect.scatter.add.f32 [tilespmem:s15], [sflag:$0x3], $0x90, s29, s14, $0xb8;
	[tilespmem:$0x1FA80] =	vst v63  }
0x25: {  	_ =	swait.ge [sflag:s12], $0x2400  }
0x26: {  	[sflag:s12] =	ssyncset.done $0x0  }
0x27: {  	s30 =	simm.s32 $0x80;
	[sflag:s12] =	ssyncadd.s32 $0xFFFFDC00  }
0x28: {  	[tilespmem:s15], [sflag:$0x1] =	stream.indirect.gather [hbm4b:s4+s14], $0x90, s30, s14, $0xb8;
	[tilespmem:$0x1FA80] =	vst v63  }
0x29: {  	_ =	swait.ge [sflag:s18], $0x2400  }
0x2a: {  	[sflag:s18] =	ssyncset.done $0x0  }
0x2b: {  	s31 =	simm.s32 $0x27C0;
	[sflag:s18] =	ssyncadd.s32 $0xFFFFDC00  }
0x2c: {  	[spmem:s2] =	stream.indirect.scatter.add.f32 [tilespmem:s16], [sflag:$0x3], $0x90, s31, s14, $0xb8;
	[tilespmem:$0x1FA80] =	vst v63  }
0x2d: {  	_ =	swait.ge [sflag:s12], $0x2400  }
0x2e: {  	s24 =	simm.s32 $0x400;
	s23 =	simm.s32 $0x80;
	[sflag:s12] =	ssyncset.done $0x0  }
.LBB2_2:
0x2f: {  	s25 =	sadd.s32 $0x40, s23  }
0x30: {  	[sflag:s12] =	ssyncadd.s32 $0xFFFFDC00;
	s26 =	smov.u32 s24;
	s28 =	sadd.s32 $0x200, s24  }
0x31: {  	[tilespmem:s16], [sflag:$0x2] =	stream.indirect.gather [hbm4b:s4+s14], $0x90, s25, s14, $0xb8;
	[tilespmem:$0x1FA80] =	vst v63  }
0x32: {  	p0 =	sne.s32 s24, $0x9A00;
	_ =	swait.ge [sflag:s17], $0x2400  }
0x33: {  	[sflag:s17] =	ssyncset.done $0x0  }
0x34: {  	s24 =	sadd.s32 $0x2780, s23;
	[sflag:s17] =	ssyncadd.s32 $0xFFFFDC00  }
0x35: {  	[spmem:s2] =	stream.indirect.scatter.add.f32 [tilespmem:s15], [sflag:$0x3], $0x90, s24, s14, $0xb8;
	[tilespmem:$0x1FA80] =	vst v63  }
0x36: {  	_ =	swait.ge [sflag:s12], $0x2400  }
0x37: {  	[sflag:s12] =	ssyncset.done $0x0  }
0x38: {  	s24 =	sadd.s32 $0x80, s23;
	[sflag:s12] =	ssyncadd.s32 $0xFFFFDC00  }
0x39: {  	[tilespmem:s15], [sflag:$0x1] =	stream.indirect.gather [hbm4b:s4+s14], $0x90, s24, s14, $0xb8;
	[tilespmem:$0x1FA80] =	vst v63  }
0x3a: {  	_ =	swait.ge [sflag:s18], $0x2400  }
.Ltmp0:
0x3b: {  	[sflag:s18] =	ssyncset.done $0x0;
	(pc) =	sbr.rel @p0 .LBB2_2-.Ltmp0, $4  }
0x3c: {  	s23 =	sadd.s32 $0x27C0, s23;
	[sflag:s18] =	ssyncadd.s32 $0xFFFFDC00  }
0x3d: {  	[spmem:s2] =	stream.indirect.scatter.add.f32 [tilespmem:s16], [sflag:$0x3], $0x90, s23, s14, $0xb8;
	[tilespmem:$0x1FA80] =	vst v63  }
0x3e: {  	_ =	swait.ge [sflag:s12], $0x2400  }
0x3f: {  	s24 =	smov.u32 s28;
	s23 =	sshra.s32 s26, $0x2;
	[sflag:s12] =	ssyncset.done $0x0  }
0x40: {  	s24 =	sadd.s32 $0x40, s23;
	[sflag:s12] =	ssyncadd.s32 $0xFFFFDC00  }
0x41: {  	[tilespmem:s16], [sflag:$0x2] =	stream.indirect.gather [hbm4b:s4+s14], $0x90, s24, s14, $0xb8;
	[tilespmem:$0x1FA80] =	vst v63  }
0x42: {  	_ =	swait.ge [sflag:s17], $0x2400  }
0x43: {  	[sflag:s17] =	ssyncset.done $0x0  }
0x44: {  	s29 =	sadd.s32 $0x2780, s23;
	[sflag:s17] =	ssyncadd.s32 $0xFFFFDC00  }
0x45: {  	[spmem:s2] =	stream.indirect.scatter.add.f32 [tilespmem:s15], [sflag:$0x3], $0x90, s29, s14, $0xb8;
	[tilespmem:$0x1FA80] =	vst v63  }
0x46: {  	_ =	swait.ge [sflag:s12], $0x2400  }
0x47: {  	[sflag:s12] =	ssyncset.done $0x0  }
0x48: {  	s30 =	sadd.s32 $0x80, s23;
	[sflag:s12] =	ssyncadd.s32 $0xFFFFDC00  }
0x49: {  	[tilespmem:s15], [sflag:$0x1] =	stream.indirect.gather [hbm4b:s4+s14], $0x90, s30, s14, $0xb8;
	[tilespmem:$0x1FA80] =	vst v63  }
0x4a: {  	_ =	swait.ge [sflag:s18], $0x2400  }
0x4b: {  	[sflag:s18] =	ssyncset.done $0x0  }
0x4c: {  	s31 =	sadd.s32 $0x27C0, s23;
	[sflag:s18] =	ssyncadd.s32 $0xFFFFDC00  }
0x4d: {  	[spmem:s2] =	stream.indirect.scatter.add.f32 [tilespmem:s16], [sflag:$0x3], $0x90, s31, s14, $0xb8;
	[tilespmem:$0x1FA80] =	vst v63  }
0x4e: {  	_ =	swait.ge [sflag:s12], $0x2400  }
0x4f: {  	[sflag:s12] =	ssyncset.done $0x0  }
0x50: {  	[sflag:s12] =	ssyncadd.s32 $0xFFFFDC00  }
0x51: {  	[tilespmem:s16], [sflag:$0x2] =	stream.indirect.gather [hbm4b:s4+s14], $0x90, s19, s14, $0xb8;
	[tilespmem:$0x1FA80] =	vst v63  }
0x52: {  	_ =	swait.ge [sflag:s17], $0x2400  }
0x53: {  	[sflag:s17] =	ssyncset.done $0x0  }
0x54: {  	[sflag:s17] =	ssyncadd.s32 $0xFFFFDC00  }
0x55: {  	[spmem:s2] =	stream.indirect.scatter.add.f32 [tilespmem:s15], [sflag:$0x3], $0x90, s20, s14, $0xb8;
	[tilespmem:$0x1FA80] =	vst v63  }
0x56: {  	_ =	swait.ge [sflag:s12], $0x2400  }
0x57: {  	[sflag:s12] =	ssyncset.done $0x0  }
0x58: {  	[sflag:s12] =	ssyncadd.s32 $0xFFFFDC00  }
0x59: {  	_ =	swait.ge [sflag:s18], $0x2400  }
0x5a: {  	[sflag:s18] =	ssyncset.done $0x0  }
0x5b: {  	[sflag:s18] =	ssyncadd.s32 $0xFFFFDC00  }
0x5c: {  	[spmem:s2] =	stream.indirect.scatter.add.f32 [tilespmem:s16], [sflag:$0x3], $0x90, s21, s14, $0xb8;
	[tilespmem:$0x1FA80] =	vst v63  }
0x5d: {  	_ =	swait.ge [sflag:s12], $0x2400  }
0x5e: {  	s22 =	sadd.s32 $0x1, s22;
	[sflag:s12] =	ssyncset.done $0x0  }
0x5f: {  	p0 =	sne.s32 s22, s10;
	[sflag:s12] =	ssyncadd.s32 $0xFFFFDC00  }
.Ltmp1:
0x60: {  	[bflag:$0x0] =	sbarrier.arrive $0xFFFF;
	(pc) =	sbr.rel @p0 .LBB2_1-.Ltmp1, $4  }
0x61: {  	[hbm:s9], [sflag:s6] =	dma.local [spmem:s11], $0x2C70  }
0x62: {  	_ =	swait.ge [sflag:s12], $0x2C70  }
0x63: {  	[sflag:s12] =	ssyncset.done $0x0  }
0x64: {  	[sflag:s12] =	ssyncadd.s32 $0xFFFFD390  }
0x65: {  	_ =	sfence.sel $0x180000  }
0x66: {  	[bflag:$0x0] =	sbarrier.arrive $0xFFFF  }
0x67: {  	p0 =	sne.s32 s0, $0x0;
	_ =	strace $0x90000047  }
0x68: {  	s0 =	sadd.s32 @!p0 $0x100000, s1;
	[bflag:$0x2] =	sbarrier.arrive $0xFFFF  }
0x69: {  	[sflag:s0] =	ssyncadd.tile.s32 @!p0 $0x1;
	_ =	shalt  }
.Lfunc_end2:
_tile_overlayer_lowered:
.L_overlay_start_2:
0x6a: {  	(tag) =	ssettag $0x2  }
0x6b: {  	s0 =	rddreg [dreg:$0x0];
	s2 =	stileid.u32  }
0x6c: {  	s1 =	rddreg [dreg:$0x1];
	p0 =	sne.s32 s2, $0x0  }
0x6d: {  	s3 =	rddreg [dreg:$0x2];
	[bflag:$0x3] =	sbarrier.arrive $0xFFFF;
	s2 =	simm.s32 @!p0 $0x1C03  }
0x6e: {  	[timem:s3], [sflag:s2] =	dma.local @!p0 [hbm:s0], s1  }
0x6f: {  	s0 =	simm.s32 @!p0 $0x3  }
0x70: {  	_ =	swait.ge @!p0 [sflag:s0], s1  }
0x71: {  	s1 =	ssub.s32 @!p0 $0x0, s1;
	[sflag:s0] =	ssyncset.done @!p0 $0x0  }
0x72: {  	[sflag:s0] =	ssyncadd.s32 @!p0 s1  }
0x73: {  	[bflag:$0x3] =	sbarrier.arrive $0xFFFF  }
0x74: {  	_ =	shalt  }

</sc_bundles>
